<compile_context>
chip_gen: v7x
topology: tpu7x:2x2x1
jax: 0.10.2.dev20260603
libtpu: 0.0.44.dev20260713+nightly
codegen_flags: <defaults>
</compile_context>

<pallas_src>
import functools

import jax
import jax.numpy as jnp
from jax import lax
from jax.experimental import pallas as pl
from jax.experimental.pallas import tpu as pltpu
from jax.experimental.pallas import tpu_sc as plsc

_B = 16384
_C = 128
_NC = 2
_NS = 16
_NW = _NC * _NS
_T = 128
_NT = _B // (_T * _NW)
_G = _C // 16


def _body(params_hbm, idx_hbm, out_hbm, idx_v, ridx_v,
          in_v, st_v, sem_in, sem_out):
    wid = lax.axis_index("s") * _NC + lax.axis_index("c")

    lane = jnp.arange(16, dtype=jnp.int32)
    rows_g = [g * 16 + lane for g in range(_G)]

    def start_in(t):
        row0 = (wid * _NT + t) * _T
        return pltpu.async_copy(
            params_hbm.at[pl.ds(row0, _T)], in_v.at[t & 1], sem_in)

    start_in(0)
    idx_desc = pltpu.async_copy(idx_hbm, idx_v, sem_out)

    for t in range(_NT):
        tb = wid * _NT + t
        for g in range(_G // 2):
            ivec = g * 16 + lane
            plsc.store_scatter(
                ridx_v, [jnp.full((16,), t, jnp.int32), ivec], ivec * 128 + tb)

    idx_desc.wait()

    idx_g = [
        plsc.load_gather(idx_v, [g * 16 + lane]) for g in range(_G)
    ]
    cols_g = rows_g
    st_i_g = [c >> 1 for c in cols_g]
    st_o_g = [(c & 1) * 128 for c in cols_g]

    def wait_in(t):
        pltpu.make_async_copy(
            params_hbm.at[pl.ds(0, _T)], in_v.at[t & 1], sem_in).wait()

    def start_out(t):
        return pltpu.async_copy(
            st_v.at[t & 1], out_hbm.at[ridx_v.at[t]], sem_out)

    def wait_out(t):
        pltpu.make_async_copy(
            st_v.at[t & 1], out_hbm.at[ridx_v.at[0]], sem_out).wait()

    def tile_body(t, carry):
        p = t & 1
        wait_in(t)

        @pl.when(t + 1 < _NT)
        def _():
            start_in(t + 1)

        pv = jnp.full((16,), p, jnp.int32)

        @plsc.parallel_loop(0, _G * 16, 1, unroll=2)
        def diag_body(m):
            rowv = (m >> 4) * 16 + ((lane + (m & 15)) & 15)
            for cb in range(_G):
                vals = plsc.load_gather(in_v, [pv, rowv, idx_g[cb]])
                plsc.store_scatter(
                    st_v, [pv, st_i_g[cb], st_o_g[cb] + rowv], vals)

        @pl.when(t >= 2)
        def _():
            wait_out(t)

        start_out(t)
        return carry

    lax.fori_loop(0, _NT, tile_body, 0)
    wait_out(_NT - 2)
    wait_out(_NT - 1)


_sc_call = functools.partial(
    pl.kernel,
    out_type=jax.ShapeDtypeStruct((_B // 2, _C * 2), jnp.float32),
    mesh=plsc.VectorSubcoreMesh(core_axis_name="c", subcore_axis_name="s"),
    scratch_types=[
        pltpu.VMEM((_C,), jnp.int32),
        pltpu.VMEM((_NT, _C // 2), jnp.int32),
        pltpu.VMEM((2, _T, _C), jnp.float32),
        pltpu.VMEM((2, _C // 2, _T * 2), jnp.float32),
        pltpu.SemaphoreType.DMA,
        pltpu.SemaphoreType.DMA,
    ],
    compiler_params=pltpu.CompilerParams(
        needs_layout_passes=False, use_tc_tiling_on_sc=False),
)(_body)


@jax.jit
def kernel(parameters, marginal_indices):
    r = _sc_call(parameters, marginal_indices.reshape(_C))
    r4 = r.reshape(_C // 2, _B // _T, 2, _T)
    return r4.transpose(1, 3, 0, 2).reshape(_B, _C // 2, 2)

# --- scband reference (transcript-rebuilt; emitter-appended) ---
"""Pipeline reference for scband-parameter-transform-9594956939704 (READ-ONLY COPY).

The authoritative reference and input builder live on the scoring server;
editing this copy changes nothing except your own understanding.
"""

import jax, jax.numpy as jnp
import numpy as np


def setup_inputs(seed: int = 0) -> dict:
    key = jax.random.key(seed)
    parameters = jax.random.normal(key, (16384, 128), dtype=jnp.float32)
    # buffer from __init__: marginal_indices = [[0,1],[2,3],...,[126,127]] (64 pairs)
    marginal_indices = jnp.arange(128, dtype=jnp.int32).reshape(64, 2)
    return {"parameters": parameters, "marginal_indices": marginal_indices}


def reference(parameters, marginal_indices):
    # online_z_score=False -> nn.Identity(), so parameters pass through unchanged.
    # get_marginal_block: torch.stack([parameters[..., mi] for mi in marginal_indices], dim=1)
    # Each mi is a length-2 tuple, so stacking the 64 gathers along dim=1 is exactly
    # a single gather along the last axis with a [64, 2] index array.
    out = jnp.take(parameters, marginal_indices, axis=-1)  # [B, 64, 2]
    return out

if __name__ == "__main__":
    import jax
    _d = setup_inputs()
    print(jax.jit(kernel)(*tuple(_d.values())))

</pallas_src>

<mosaic_0001>
#map = affine_map<(d0, d1) -> (0, 0)>
#map1 = affine_map<(d0, d1) -> (0)>
module attributes {stable_mosaic.version = 14 : i64} {
  func.func @_body(%arg0: i32, %arg1: i32, %arg2: memref<16384x128xf32, #tpu.memory_space<hbm>>, %arg3: memref<128xi32, #tpu.memory_space<hbm>>, %arg4: memref<8192x256xf32, #tpu.memory_space<hbm>>, %arg5: memref<128xi32, #tpu.memory_space<vmem>>, %arg6: memref<4x64xi32, #tpu.memory_space<vmem>>, %arg7: memref<2x128x128xf32, #tpu.memory_space<vmem>>, %arg8: memref<2x64x256xf32, #tpu.memory_space<vmem>>, %arg9: memref<!tpu.dma_semaphore, #tpu.memory_space<semaphore_mem>>, %arg10: memref<!tpu.dma_semaphore, #tpu.memory_space<semaphore_mem>>) attributes {dimension_semantics = [#tpu.dimension_semantics<core_parallel>, #tpu.dimension_semantics<subcore_parallel>], iteration_bounds = array<i64: 2, 16>, scalar_prefetch = 0 : i64, scratch_operands = 6 : i64, tpu.core_type = #tpu.core_type<sc_vector_subcore>, window_params = [{transform_indices = #map}, {transform_indices = #map1}, {transform_indices = #map}]} {
    %mul3A = arith.constant 2 : i32
    %mul3A_0 = arith.muli %arg1, %mul3A : i32
    %add3A = arith.addi %mul3A_0, %arg0 : i32
    %iota3A = tpu.iota {dimensions = array<i32: 0>} : vector<16xi32>
    %add3A_1 = arith.constant 0 : i32
    %add3A_2 = vector.broadcast %add3A_1 : i32 to vector<16xi32>
    %add3A_3 = arith.addi %add3A_2, %iota3A : vector<16xi32>
    %add3A_4 = arith.constant 16 : i32
    %add3A_5 = vector.broadcast %add3A_4 : i32 to vector<16xi32>
    %add3A_6 = arith.addi %add3A_5, %iota3A : vector<16xi32>
    %add3A_7 = arith.constant 32 : i32
    %add3A_8 = vector.broadcast %add3A_7 : i32 to vector<16xi32>
    %add3A_9 = arith.addi %add3A_8, %iota3A : vector<16xi32>
    %add3A_10 = arith.constant 48 : i32
    %add3A_11 = vector.broadcast %add3A_10 : i32 to vector<16xi32>
    %add3A_12 = arith.addi %add3A_11, %iota3A : vector<16xi32>
    %add3A_13 = arith.constant 64 : i32
    %add3A_14 = vector.broadcast %add3A_13 : i32 to vector<16xi32>
    %add3A_15 = arith.addi %add3A_14, %iota3A : vector<16xi32>
    %add3A_16 = arith.constant 80 : i32
    %add3A_17 = vector.broadcast %add3A_16 : i32 to vector<16xi32>
    %add3A_18 = arith.addi %add3A_17, %iota3A : vector<16xi32>
    %add3A_19 = arith.constant 96 : i32
    %add3A_20 = vector.broadcast %add3A_19 : i32 to vector<16xi32>
    %add3A_21 = arith.addi %add3A_20, %iota3A : vector<16xi32>
    %add3A_22 = arith.constant 112 : i32
    %add3A_23 = vector.broadcast %add3A_22 : i32 to vector<16xi32>
    %add3A_24 = arith.addi %add3A_23, %iota3A : vector<16xi32>
    %mul3A_25 = arith.constant 4 : i32
    %mul3A_26 = arith.muli %add3A, %mul3A_25 : i32
    %add3A_27 = arith.constant 0 : i32
    %add3A_28 = arith.addi %mul3A_26, %add3A_27 : i32
    %mul3A_29 = arith.constant 128 : i32
    %mul3A_30 = arith.muli %add3A_28, %mul3A_29 : i32
    %dma_start3A = arith.constant 0 : i32
    %dma_start3A_31 = arith.constant 0 : i32
    %dma_start3A_32 = arith.constant 0 : i32
    %dma_start3A_33 = tpu.memref_slice %arg7[%dma_start3A, %dma_start3A_31, %dma_start3A_32] : memref<2x128x128xf32, #tpu.memory_space<vmem>> -> memref<1x128x128xf32, #tpu.memory_space<vmem>>
    %dma_start3A_34 = tpu.memref_squeeze %dma_start3A_33 : memref<1x128x128xf32, #tpu.memory_space<vmem>> -> memref<128x128xf32, #tpu.memory_space<vmem>>
    %dma_start3A_35 = arith.constant 0 : i32
    %dma_start3A_36 = tpu.memref_slice %arg2[%mul3A_30, %dma_start3A_35] : memref<16384x128xf32, #tpu.memory_space<hbm>> -> memref<128x128xf32, #tpu.memory_space<hbm>>
    %dma_start3A_37 = arith.constant 0 : i32
    %dma_start3A_38 = arith.constant 0 : i32
    %dma_start3A_39 = tpu.memref_slice %arg7[%dma_start3A, %dma_start3A_37, %dma_start3A_38] : memref<2x128x128xf32, #tpu.memory_space<vmem>> -> memref<1x128x128xf32, #tpu.memory_space<vmem>>
    %dma_start3A_40 = tpu.memref_squeeze %dma_start3A_39 : memref<1x128x128xf32, #tpu.memory_space<vmem>> -> memref<128x128xf32, #tpu.memory_space<vmem>>
    %dma_start3A_41 = arith.constant 0 : i32
    %dma_start3A_42 = tpu.memref_slice %arg2[%mul3A_30, %dma_start3A_41] : memref<16384x128xf32, #tpu.memory_space<hbm>> -> memref<128x128xf32, #tpu.memory_space<hbm>>
    tpu.enqueue_dma source(%dma_start3A_42 : memref<128x128xf32, #tpu.memory_space<hbm>>) target(%dma_start3A_40 : memref<128x128xf32, #tpu.memory_space<vmem>>) target_semaphore(%arg9 : memref<!tpu.dma_semaphore, #tpu.memory_space<semaphore_mem>>)
    tpu.enqueue_dma source(%arg3 : memref<128xi32, #tpu.memory_space<hbm>>) target(%arg5 : memref<128xi32, #tpu.memory_space<vmem>>) target_semaphore(%arg10 : memref<!tpu.dma_semaphore, #tpu.memory_space<semaphore_mem>>)
    %mul3A_43 = arith.constant 4 : i32
    %mul3A_44 = arith.muli %add3A, %mul3A_43 : i32
    %add3A_45 = arith.constant 0 : i32
    %add3A_46 = arith.addi %mul3A_44, %add3A_45 : i32
    %add3A_47 = arith.constant 0 : i32
    %add3A_48 = vector.broadcast %add3A_47 : i32 to vector<16xi32>
    %add3A_49 = arith.addi %add3A_48, %iota3A : vector<16xi32>
    %broadcast_in_dim3A = arith.constant 0 : i32
    %broadcast_in_dim3A_50 = vector.broadcast %broadcast_in_dim3A : i32 to vector<16xi32>
    %mul3A_51 = arith.constant 128 : i32
    %mul3A_52 = vector.broadcast %mul3A_51 : i32 to vector<16xi32>
    %mul3A_53 = arith.muli %add3A_49, %mul3A_52 : vector<16xi32>
    %add3A_54 = vector.broadcast %add3A_46 : i32 to vector<16xi32>
    %add3A_55 = arith.addi %mul3A_53, %add3A_54 : vector<16xi32>
    tpu.vector_store_idx %arg6[%broadcast_in_dim3A_50, %add3A_49], %add3A_55 : memref<4x64xi32, #tpu.memory_space<vmem>>[vector<16xi32>, vector<16xi32>], vector<16xi32>,
    %add3A_56 = arith.constant 16 : i32
    %add3A_57 = vector.broadcast %add3A_56 : i32 to vector<16xi32>
    %add3A_58 = arith.addi %add3A_57, %iota3A : vector<16xi32>
    %broadcast_in_dim3A_59 = arith.constant 0 : i32
    %broadcast_in_dim3A_60 = vector.broadcast %broadcast_in_dim3A_59 : i32 to vector<16xi32>
    %mul3A_61 = arith.constant 128 : i32
    %mul3A_62 = vector.broadcast %mul3A_61 : i32 to vector<16xi32>
    %mul3A_63 = arith.muli %add3A_58, %mul3A_62 : vector<16xi32>
    %add3A_64 = vector.broadcast %add3A_46 : i32 to vector<16xi32>
    %add3A_65 = arith.addi %mul3A_63, %add3A_64 : vector<16xi32>
    tpu.vector_store_idx %arg6[%broadcast_in_dim3A_60, %add3A_58], %add3A_65 : memref<4x64xi32, #tpu.memory_space<vmem>>[vector<16xi32>, vector<16xi32>], vector<16xi32>,
    %add3A_66 = arith.constant 32 : i32
    %add3A_67 = vector.broadcast %add3A_66 : i32 to vector<16xi32>
    %add3A_68 = arith.addi %add3A_67, %iota3A : vector<16xi32>
    %broadcast_in_dim3A_69 = arith.constant 0 : i32
    %broadcast_in_dim3A_70 = vector.broadcast %broadcast_in_dim3A_69 : i32 to vector<16xi32>
    %mul3A_71 = arith.constant 128 : i32
    %mul3A_72 = vector.broadcast %mul3A_71 : i32 to vector<16xi32>
    %mul3A_73 = arith.muli %add3A_68, %mul3A_72 : vector<16xi32>
    %add3A_74 = vector.broadcast %add3A_46 : i32 to vector<16xi32>
    %add3A_75 = arith.addi %mul3A_73, %add3A_74 : vector<16xi32>
    tpu.vector_store_idx %arg6[%broadcast_in_dim3A_70, %add3A_68], %add3A_75 : memref<4x64xi32, #tpu.memory_space<vmem>>[vector<16xi32>, vector<16xi32>], vector<16xi32>,
    %add3A_76 = arith.constant 48 : i32
    %add3A_77 = vector.broadcast %add3A_76 : i32 to vector<16xi32>
    %add3A_78 = arith.addi %add3A_77, %iota3A : vector<16xi32>
    %broadcast_in_dim3A_79 = arith.constant 0 : i32
    %broadcast_in_dim3A_80 = vector.broadcast %broadcast_in_dim3A_79 : i32 to vector<16xi32>
    %mul3A_81 = arith.constant 128 : i32
    %mul3A_82 = vector.broadcast %mul3A_81 : i32 to vector<16xi32>
    %mul3A_83 = arith.muli %add3A_78, %mul3A_82 : vector<16xi32>
    %add3A_84 = vector.broadcast %add3A_46 : i32 to vector<16xi32>
    %add3A_85 = arith.addi %mul3A_83, %add3A_84 : vector<16xi32>
    tpu.vector_store_idx %arg6[%broadcast_in_dim3A_80, %add3A_78], %add3A_85 : memref<4x64xi32, #tpu.memory_space<vmem>>[vector<16xi32>, vector<16xi32>], vector<16xi32>,
    %mul3A_86 = arith.constant 4 : i32
    %mul3A_87 = arith.muli %add3A, %mul3A_86 : i32
    %add3A_88 = arith.constant 1 : i32
    %add3A_89 = arith.addi %mul3A_87, %add3A_88 : i32
    %add3A_90 = arith.constant 0 : i32
    %add3A_91 = vector.broadcast %add3A_90 : i32 to vector<16xi32>
    %add3A_92 = arith.addi %add3A_91, %iota3A : vector<16xi32>
    %broadcast_in_dim3A_93 = arith.constant 1 : i32
    %broadcast_in_dim3A_94 = vector.broadcast %broadcast_in_dim3A_93 : i32 to vector<16xi32>
    %mul3A_95 = arith.constant 128 : i32
    %mul3A_96 = vector.broadcast %mul3A_95 : i32 to vector<16xi32>
    %mul3A_97 = arith.muli %add3A_92, %mul3A_96 : vector<16xi32>
    %add3A_98 = vector.broadcast %add3A_89 : i32 to vector<16xi32>
    %add3A_99 = arith.addi %mul3A_97, %add3A_98 : vector<16xi32>
    tpu.vector_store_idx %arg6[%broadcast_in_dim3A_94, %add3A_92], %add3A_99 : memref<4x64xi32, #tpu.memory_space<vmem>>[vector<16xi32>, vector<16xi32>], vector<16xi32>,
    %add3A_100 = arith.constant 16 : i32
    %add3A_101 = vector.broadcast %add3A_100 : i32 to vector<16xi32>
    %add3A_102 = arith.addi %add3A_101, %iota3A : vector<16xi32>
    %broadcast_in_dim3A_103 = arith.constant 1 : i32
    %broadcast_in_dim3A_104 = vector.broadcast %broadcast_in_dim3A_103 : i32 to vector<16xi32>
    %mul3A_105 = arith.constant 128 : i32
    %mul3A_106 = vector.broadcast %mul3A_105 : i32 to vector<16xi32>
    %mul3A_107 = arith.muli %add3A_102, %mul3A_106 : vector<16xi32>
    %add3A_108 = vector.broadcast %add3A_89 : i32 to vector<16xi32>
    %add3A_109 = arith.addi %mul3A_107, %add3A_108 : vector<16xi32>
    tpu.vector_store_idx %arg6[%broadcast_in_dim3A_104, %add3A_102], %add3A_109 : memref<4x64xi32, #tpu.memory_space<vmem>>[vector<16xi32>, vector<16xi32>], vector<16xi32>,
    %add3A_110 = arith.constant 32 : i32
    %add3A_111 = vector.broadcast %add3A_110 : i32 to vector<16xi32>
    %add3A_112 = arith.addi %add3A_111, %iota3A : vector<16xi32>
    %broadcast_in_dim3A_113 = arith.constant 1 : i32
    %broadcast_in_dim3A_114 = vector.broadcast %broadcast_in_dim3A_113 : i32 to vector<16xi32>
    %mul3A_115 = arith.constant 128 : i32
    %mul3A_116 = vector.broadcast %mul3A_115 : i32 to vector<16xi32>
    %mul3A_117 = arith.muli %add3A_112, %mul3A_116 : vector<16xi32>
    %add3A_118 = vector.broadcast %add3A_89 : i32 to vector<16xi32>
    %add3A_119 = arith.addi %mul3A_117, %add3A_118 : vector<16xi32>
    tpu.vector_store_idx %arg6[%broadcast_in_dim3A_114, %add3A_112], %add3A_119 : memref<4x64xi32, #tpu.memory_space<vmem>>[vector<16xi32>, vector<16xi32>], vector<16xi32>,
    %add3A_120 = arith.constant 48 : i32
    %add3A_121 = vector.broadcast %add3A_120 : i32 to vector<16xi32>
    %add3A_122 = arith.addi %add3A_121, %iota3A : vector<16xi32>
    %broadcast_in_dim3A_123 = arith.constant 1 : i32
    %broadcast_in_dim3A_124 = vector.broadcast %broadcast_in_dim3A_123 : i32 to vector<16xi32>
    %mul3A_125 = arith.constant 128 : i32
    %mul3A_126 = vector.broadcast %mul3A_125 : i32 to vector<16xi32>
    %mul3A_127 = arith.muli %add3A_122, %mul3A_126 : vector<16xi32>
    %add3A_128 = vector.broadcast %add3A_89 : i32 to vector<16xi32>
    %add3A_129 = arith.addi %mul3A_127, %add3A_128 : vector<16xi32>
    tpu.vector_store_idx %arg6[%broadcast_in_dim3A_124, %add3A_122], %add3A_129 : memref<4x64xi32, #tpu.memory_space<vmem>>[vector<16xi32>, vector<16xi32>], vector<16xi32>,
    %mul3A_130 = arith.constant 4 : i32
    %mul3A_131 = arith.muli %add3A, %mul3A_130 : i32
    %add3A_132 = arith.constant 2 : i32
    %add3A_133 = arith.addi %mul3A_131, %add3A_132 : i32
    %add3A_134 = arith.constant 0 : i32
    %add3A_135 = vector.broadcast %add3A_134 : i32 to vector<16xi32>
    %add3A_136 = arith.addi %add3A_135, %iota3A : vector<16xi32>
    %broadcast_in_dim3A_137 = arith.constant 2 : i32
    %broadcast_in_dim3A_138 = vector.broadcast %broadcast_in_dim3A_137 : i32 to vector<16xi32>
    %mul3A_139 = arith.constant 128 : i32
    %mul3A_140 = vector.broadcast %mul3A_139 : i32 to vector<16xi32>
    %mul3A_141 = arith.muli %add3A_136, %mul3A_140 : vector<16xi32>
    %add3A_142 = vector.broadcast %add3A_133 : i32 to vector<16xi32>
    %add3A_143 = arith.addi %mul3A_141, %add3A_142 : vector<16xi32>
    tpu.vector_store_idx %arg6[%broadcast_in_dim3A_138, %add3A_136], %add3A_143 : memref<4x64xi32, #tpu.memory_space<vmem>>[vector<16xi32>, vector<16xi32>], vector<16xi32>,
    %add3A_144 = arith.constant 16 : i32
    %add3A_145 = vector.broadcast %add3A_144 : i32 to vector<16xi32>
    %add3A_146 = arith.addi %add3A_145, %iota3A : vector<16xi32>
    %broadcast_in_dim3A_147 = arith.constant 2 : i32
    %broadcast_in_dim3A_148 = vector.broadcast %broadcast_in_dim3A_147 : i32 to vector<16xi32>
    %mul3A_149 = arith.constant 128 : i32
    %mul3A_150 = vector.broadcast %mul3A_149 : i32 to vector<16xi32>
    %mul3A_151 = arith.muli %add3A_146, %mul3A_150 : vector<16xi32>
    %add3A_152 = vector.broadcast %add3A_133 : i32 to vector<16xi32>
    %add3A_153 = arith.addi %mul3A_151, %add3A_152 : vector<16xi32>
    tpu.vector_store_idx %arg6[%broadcast_in_dim3A_148, %add3A_146], %add3A_153 : memref<4x64xi32, #tpu.memory_space<vmem>>[vector<16xi32>, vector<16xi32>], vector<16xi32>,
    %add3A_154 = arith.constant 32 : i32
    %add3A_155 = vector.broadcast %add3A_154 : i32 to vector<16xi32>
    %add3A_156 = arith.addi %add3A_155, %iota3A : vector<16xi32>
    %broadcast_in_dim3A_157 = arith.constant 2 : i32
    %broadcast_in_dim3A_158 = vector.broadcast %broadcast_in_dim3A_157 : i32 to vector<16xi32>
    %mul3A_159 = arith.constant 128 : i32
    %mul3A_160 = vector.broadcast %mul3A_159 : i32 to vector<16xi32>
    %mul3A_161 = arith.muli %add3A_156, %mul3A_160 : vector<16xi32>
    %add3A_162 = vector.broadcast %add3A_133 : i32 to vector<16xi32>
    %add3A_163 = arith.addi %mul3A_161, %add3A_162 : vector<16xi32>
    tpu.vector_store_idx %arg6[%broadcast_in_dim3A_158, %add3A_156], %add3A_163 : memref<4x64xi32, #tpu.memory_space<vmem>>[vector<16xi32>, vector<16xi32>], vector<16xi32>,
    %add3A_164 = arith.constant 48 : i32
    %add3A_165 = vector.broadcast %add3A_164 : i32 to vector<16xi32>
    %add3A_166 = arith.addi %add3A_165, %iota3A : vector<16xi32>
    %broadcast_in_dim3A_167 = arith.constant 2 : i32
    %broadcast_in_dim3A_168 = vector.broadcast %broadcast_in_dim3A_167 : i32 to vector<16xi32>
    %mul3A_169 = arith.constant 128 : i32
    %mul3A_170 = vector.broadcast %mul3A_169 : i32 to vector<16xi32>
    %mul3A_171 = arith.muli %add3A_166, %mul3A_170 : vector<16xi32>
    %add3A_172 = vector.broadcast %add3A_133 : i32 to vector<16xi32>
    %add3A_173 = arith.addi %mul3A_171, %add3A_172 : vector<16xi32>
    tpu.vector_store_idx %arg6[%broadcast_in_dim3A_168, %add3A_166], %add3A_173 : memref<4x64xi32, #tpu.memory_space<vmem>>[vector<16xi32>, vector<16xi32>], vector<16xi32>,
    %mul3A_174 = arith.constant 4 : i32
    %mul3A_175 = arith.muli %add3A, %mul3A_174 : i32
    %add3A_176 = arith.constant 3 : i32
    %add3A_177 = arith.addi %mul3A_175, %add3A_176 : i32
    %add3A_178 = arith.constant 0 : i32
    %add3A_179 = vector.broadcast %add3A_178 : i32 to vector<16xi32>
    %add3A_180 = arith.addi %add3A_179, %iota3A : vector<16xi32>
    %broadcast_in_dim3A_181 = arith.constant 3 : i32
    %broadcast_in_dim3A_182 = vector.broadcast %broadcast_in_dim3A_181 : i32 to vector<16xi32>
    %mul3A_183 = arith.constant 128 : i32
    %mul3A_184 = vector.broadcast %mul3A_183 : i32 to vector<16xi32>
    %mul3A_185 = arith.muli %add3A_180, %mul3A_184 : vector<16xi32>
    %add3A_186 = vector.broadcast %add3A_177 : i32 to vector<16xi32>
    %add3A_187 = arith.addi %mul3A_185, %add3A_186 : vector<16xi32>
    tpu.vector_store_idx %arg6[%broadcast_in_dim3A_182, %add3A_180], %add3A_187 : memref<4x64xi32, #tpu.memory_space<vmem>>[vector<16xi32>, vector<16xi32>], vector<16xi32>,
    %add3A_188 = arith.constant 16 : i32
    %add3A_189 = vector.broadcast %add3A_188 : i32 to vector<16xi32>
    %add3A_190 = arith.addi %add3A_189, %iota3A : vector<16xi32>
    %broadcast_in_dim3A_191 = arith.constant 3 : i32
    %broadcast_in_dim3A_192 = vector.broadcast %broadcast_in_dim3A_191 : i32 to vector<16xi32>
    %mul3A_193 = arith.constant 128 : i32
    %mul3A_194 = vector.broadcast %mul3A_193 : i32 to vector<16xi32>
    %mul3A_195 = arith.muli %add3A_190, %mul3A_194 : vector<16xi32>
    %add3A_196 = vector.broadcast %add3A_177 : i32 to vector<16xi32>
    %add3A_197 = arith.addi %mul3A_195, %add3A_196 : vector<16xi32>
    tpu.vector_store_idx %arg6[%broadcast_in_dim3A_192, %add3A_190], %add3A_197 : memref<4x64xi32, #tpu.memory_space<vmem>>[vector<16xi32>, vector<16xi32>], vector<16xi32>,
    %add3A_198 = arith.constant 32 : i32
    %add3A_199 = vector.broadcast %add3A_198 : i32 to vector<16xi32>
    %add3A_200 = arith.addi %add3A_199, %iota3A : vector<16xi32>
    %broadcast_in_dim3A_201 = arith.constant 3 : i32
    %broadcast_in_dim3A_202 = vector.broadcast %broadcast_in_dim3A_201 : i32 to vector<16xi32>
    %mul3A_203 = arith.constant 128 : i32
    %mul3A_204 = vector.broadcast %mul3A_203 : i32 to vector<16xi32>
    %mul3A_205 = arith.muli %add3A_200, %mul3A_204 : vector<16xi32>
    %add3A_206 = vector.broadcast %add3A_177 : i32 to vector<16xi32>
    %add3A_207 = arith.addi %mul3A_205, %add3A_206 : vector<16xi32>
    tpu.vector_store_idx %arg6[%broadcast_in_dim3A_202, %add3A_200], %add3A_207 : memref<4x64xi32, #tpu.memory_space<vmem>>[vector<16xi32>, vector<16xi32>], vector<16xi32>,
    %add3A_208 = arith.constant 48 : i32
    %add3A_209 = vector.broadcast %add3A_208 : i32 to vector<16xi32>
    %add3A_210 = arith.addi %add3A_209, %iota3A : vector<16xi32>
    %broadcast_in_dim3A_211 = arith.constant 3 : i32
    %broadcast_in_dim3A_212 = vector.broadcast %broadcast_in_dim3A_211 : i32 to vector<16xi32>
    %mul3A_213 = arith.constant 128 : i32
    %mul3A_214 = vector.broadcast %mul3A_213 : i32 to vector<16xi32>
    %mul3A_215 = arith.muli %add3A_210, %mul3A_214 : vector<16xi32>
    %add3A_216 = vector.broadcast %add3A_177 : i32 to vector<16xi32>
    %add3A_217 = arith.addi %mul3A_215, %add3A_216 : vector<16xi32>
    tpu.vector_store_idx %arg6[%broadcast_in_dim3A_212, %add3A_210], %add3A_217 : memref<4x64xi32, #tpu.memory_space<vmem>>[vector<16xi32>, vector<16xi32>], vector<16xi32>,
    tpu.wait_dma2 semaphore(%arg10 : memref<!tpu.dma_semaphore, #tpu.memory_space<semaphore_mem>>) src(%arg3 : memref<128xi32, #tpu.memory_space<hbm>>) dst(%arg5 : memref<128xi32, #tpu.memory_space<vmem>>)
    %add3A_218 = arith.constant 0 : i32
    %add3A_219 = vector.broadcast %add3A_218 : i32 to vector<16xi32>
    %add3A_220 = arith.addi %add3A_219, %iota3A : vector<16xi32>
    %gather3A = tpu.vector_load_idx %arg5[%add3A_220] : memref<128xi32, #tpu.memory_space<vmem>>[vector<16xi32>], vector<16xi32>,
    %add3A_221 = arith.constant 16 : i32
    %add3A_222 = vector.broadcast %add3A_221 : i32 to vector<16xi32>
    %add3A_223 = arith.addi %add3A_222, %iota3A : vector<16xi32>
    %gather3A_224 = tpu.vector_load_idx %arg5[%add3A_223] : memref<128xi32, #tpu.memory_space<vmem>>[vector<16xi32>], vector<16xi32>,
    %add3A_225 = arith.constant 32 : i32
    %add3A_226 = vector.broadcast %add3A_225 : i32 to vector<16xi32>
    %add3A_227 = arith.addi %add3A_226, %iota3A : vector<16xi32>
    %gather3A_228 = tpu.vector_load_idx %arg5[%add3A_227] : memref<128xi32, #tpu.memory_space<vmem>>[vector<16xi32>], vector<16xi32>,
    %add3A_229 = arith.constant 48 : i32
    %add3A_230 = vector.broadcast %add3A_229 : i32 to vector<16xi32>
    %add3A_231 = arith.addi %add3A_230, %iota3A : vector<16xi32>
    %gather3A_232 = tpu.vector_load_idx %arg5[%add3A_231] : memref<128xi32, #tpu.memory_space<vmem>>[vector<16xi32>], vector<16xi32>,
    %add3A_233 = arith.constant 64 : i32
    %add3A_234 = vector.broadcast %add3A_233 : i32 to vector<16xi32>
    %add3A_235 = arith.addi %add3A_234, %iota3A : vector<16xi32>
    %gather3A_236 = tpu.vector_load_idx %arg5[%add3A_235] : memref<128xi32, #tpu.memory_space<vmem>>[vector<16xi32>], vector<16xi32>,
    %add3A_237 = arith.constant 80 : i32
    %add3A_238 = vector.broadcast %add3A_237 : i32 to vector<16xi32>
    %add3A_239 = arith.addi %add3A_238, %iota3A : vector<16xi32>
    %gather3A_240 = tpu.vector_load_idx %arg5[%add3A_239] : memref<128xi32, #tpu.memory_space<vmem>>[vector<16xi32>], vector<16xi32>,
    %add3A_241 = arith.constant 96 : i32
    %add3A_242 = vector.broadcast %add3A_241 : i32 to vector<16xi32>
    %add3A_243 = arith.addi %add3A_242, %iota3A : vector<16xi32>
    %gather3A_244 = tpu.vector_load_idx %arg5[%add3A_243] : memref<128xi32, #tpu.memory_space<vmem>>[vector<16xi32>], vector<16xi32>,
    %add3A_245 = arith.constant 112 : i32
    %add3A_246 = vector.broadcast %add3A_245 : i32 to vector<16xi32>
    %add3A_247 = arith.addi %add3A_246, %iota3A : vector<16xi32>
    %gather3A_248 = tpu.vector_load_idx %arg5[%add3A_247] : memref<128xi32, #tpu.memory_space<vmem>>[vector<16xi32>], vector<16xi32>,
    %shift_right_arithmetic3A = arith.constant 1 : i32
    %shift_right_arithmetic3A_249 = vector.broadcast %shift_right_arithmetic3A : i32 to vector<16xi32>
    %shift_right_arithmetic3A_250 = arith.shrsi %add3A_3, %shift_right_arithmetic3A_249 : vector<16xi32>
    %shift_right_arithmetic3A_251 = arith.constant 1 : i32
    %shift_right_arithmetic3A_252 = vector.broadcast %shift_right_arithmetic3A_251 : i32 to vector<16xi32>
    %shift_right_arithmetic3A_253 = arith.shrsi %add3A_6, %shift_right_arithmetic3A_252 : vector<16xi32>
    %shift_right_arithmetic3A_254 = arith.constant 1 : i32
    %shift_right_arithmetic3A_255 = vector.broadcast %shift_right_arithmetic3A_254 : i32 to vector<16xi32>
    %shift_right_arithmetic3A_256 = arith.shrsi %add3A_9, %shift_right_arithmetic3A_255 : vector<16xi32>
    %shift_right_arithmetic3A_257 = arith.constant 1 : i32
    %shift_right_arithmetic3A_258 = vector.broadcast %shift_right_arithmetic3A_257 : i32 to vector<16xi32>
    %shift_right_arithmetic3A_259 = arith.shrsi %add3A_12, %shift_right_arithmetic3A_258 : vector<16xi32>
    %shift_right_arithmetic3A_260 = arith.constant 1 : i32
    %shift_right_arithmetic3A_261 = vector.broadcast %shift_right_arithmetic3A_260 : i32 to vector<16xi32>
    %shift_right_arithmetic3A_262 = arith.shrsi %add3A_15, %shift_right_arithmetic3A_261 : vector<16xi32>
    %shift_right_arithmetic3A_263 = arith.constant 1 : i32
    %shift_right_arithmetic3A_264 = vector.broadcast %shift_right_arithmetic3A_263 : i32 to vector<16xi32>
    %shift_right_arithmetic3A_265 = arith.shrsi %add3A_18, %shift_right_arithmetic3A_264 : vector<16xi32>
    %shift_right_arithmetic3A_266 = arith.constant 1 : i32
    %shift_right_arithmetic3A_267 = vector.broadcast %shift_right_arithmetic3A_266 : i32 to vector<16xi32>
    %shift_right_arithmetic3A_268 = arith.shrsi %add3A_21, %shift_right_arithmetic3A_267 : vector<16xi32>
    %shift_right_arithmetic3A_269 = arith.constant 1 : i32
    %shift_right_arithmetic3A_270 = vector.broadcast %shift_right_arithmetic3A_269 : i32 to vector<16xi32>
    %shift_right_arithmetic3A_271 = arith.shrsi %add3A_24, %shift_right_arithmetic3A_270 : vector<16xi32>
    %and3A = arith.constant 1 : i32
    %and3A_272 = vector.broadcast %and3A : i32 to vector<16xi32>
    %and3A_273 = arith.andi %add3A_3, %and3A_272 : vector<16xi32>
    %mul3A_274 = arith.constant 128 : i32
    %mul3A_275 = vector.broadcast %mul3A_274 : i32 to vector<16xi32>
    %mul3A_276 = arith.muli %and3A_273, %mul3A_275 : vector<16xi32>
    %and3A_277 = arith.constant 1 : i32
    %and3A_278 = vector.broadcast %and3A_277 : i32 to vector<16xi32>
    %and3A_279 = arith.andi %add3A_6, %and3A_278 : vector<16xi32>
    %mul3A_280 = arith.constant 128 : i32
    %mul3A_281 = vector.broadcast %mul3A_280 : i32 to vector<16xi32>
    %mul3A_282 = arith.muli %and3A_279, %mul3A_281 : vector<16xi32>
    %and3A_283 = arith.constant 1 : i32
    %and3A_284 = vector.broadcast %and3A_283 : i32 to vector<16xi32>
    %and3A_285 = arith.andi %add3A_9, %and3A_284 : vector<16xi32>
    %mul3A_286 = arith.constant 128 : i32
    %mul3A_287 = vector.broadcast %mul3A_286 : i32 to vector<16xi32>
    %mul3A_288 = arith.muli %and3A_285, %mul3A_287 : vector<16xi32>
    %and3A_289 = arith.constant 1 : i32
    %and3A_290 = vector.broadcast %and3A_289 : i32 to vector<16xi32>
    %and3A_291 = arith.andi %add3A_12, %and3A_290 : vector<16xi32>
    %mul3A_292 = arith.constant 128 : i32
    %mul3A_293 = vector.broadcast %mul3A_292 : i32 to vector<16xi32>
    %mul3A_294 = arith.muli %and3A_291, %mul3A_293 : vector<16xi32>
    %and3A_295 = arith.constant 1 : i32
    %and3A_296 = vector.broadcast %and3A_295 : i32 to vector<16xi32>
    %and3A_297 = arith.andi %add3A_15, %and3A_296 : vector<16xi32>
    %mul3A_298 = arith.constant 128 : i32
    %mul3A_299 = vector.broadcast %mul3A_298 : i32 to vector<16xi32>
    %mul3A_300 = arith.muli %and3A_297, %mul3A_299 : vector<16xi32>
    %and3A_301 = arith.constant 1 : i32
    %and3A_302 = vector.broadcast %and3A_301 : i32 to vector<16xi32>
    %and3A_303 = arith.andi %add3A_18, %and3A_302 : vector<16xi32>
    %mul3A_304 = arith.constant 128 : i32
    %mul3A_305 = vector.broadcast %mul3A_304 : i32 to vector<16xi32>
    %mul3A_306 = arith.muli %and3A_303, %mul3A_305 : vector<16xi32>
    %and3A_307 = arith.constant 1 : i32
    %and3A_308 = vector.broadcast %and3A_307 : i32 to vector<16xi32>
    %and3A_309 = arith.andi %add3A_21, %and3A_308 : vector<16xi32>
    %mul3A_310 = arith.constant 128 : i32
    %mul3A_311 = vector.broadcast %mul3A_310 : i32 to vector<16xi32>
    %mul3A_312 = arith.muli %and3A_309, %mul3A_311 : vector<16xi32>
    %and3A_313 = arith.constant 1 : i32
    %and3A_314 = vector.broadcast %and3A_313 : i32 to vector<16xi32>
    %and3A_315 = arith.andi %add3A_24, %and3A_314 : vector<16xi32>
    %mul3A_316 = arith.constant 128 : i32
    %mul3A_317 = vector.broadcast %mul3A_316 : i32 to vector<16xi32>
    %mul3A_318 = arith.muli %and3A_315, %mul3A_317 : vector<16xi32>
    %scan3A = arith.constant 0 : i32
    %scan3A_319 = arith.constant 0 : i32
    %scan3A_320 = arith.constant 4 : i32
    %scan3A_321 = arith.addi %scan3A_319, %scan3A_320 : i32
    %scan3A_322 = arith.constant 1 : i32
    scf.for %scan3A_347 = %scan3A_319 to %scan3A_321 step %scan3A_322  : i32 {
      %and3A_348 = arith.constant 1 : i32
      %and3A_349 = arith.andi %scan3A_347, %and3A_348 : i32
      %and3A_350 = arith.constant 1 : i32
      %and3A_351 = arith.andi %scan3A_347, %and3A_350 : i32
      %dma_wait3A_352 = arith.constant 0 : i32
      %dma_wait3A_353 = arith.constant 0 : i32
      %dma_wait3A_354 = tpu.memref_slice %arg7[%and3A_351, %dma_wait3A_352, %dma_wait3A_353] : memref<2x128x128xf32, #tpu.memory_space<vmem>> -> memref<1x128x128xf32, #tpu.memory_space<vmem>>
      %dma_wait3A_355 = tpu.memref_squeeze %dma_wait3A_354 : memref<1x128x128xf32, #tpu.memory_space<vmem>> -> memref<128x128xf32, #tpu.memory_space<vmem>>
      %dma_wait3A_356 = arith.constant 0 : i32
      %dma_wait3A_357 = arith.constant 0 : i32
      %dma_wait3A_358 = tpu.memref_slice %arg2[%dma_wait3A_356, %dma_wait3A_357] : memref<16384x128xf32, #tpu.memory_space<hbm>> -> memref<128x128xf32, #tpu.memory_space<hbm>>
      %dma_wait3A_359 = arith.constant 0 : i32
      %dma_wait3A_360 = arith.constant 0 : i32
      %dma_wait3A_361 = tpu.memref_slice %arg7[%and3A_351, %dma_wait3A_359, %dma_wait3A_360] : memref<2x128x128xf32, #tpu.memory_space<vmem>> -> memref<1x128x128xf32, #tpu.memory_space<vmem>>
      %dma_wait3A_362 = tpu.memref_squeeze %dma_wait3A_361 : memref<1x128x128xf32, #tpu.memory_space<vmem>> -> memref<128x128xf32, #tpu.memory_space<vmem>>
      %dma_wait3A_363 = arith.constant 0 : i32
      %dma_wait3A_364 = arith.constant 0 : i32
      %dma_wait3A_365 = tpu.memref_slice %arg2[%dma_wait3A_363, %dma_wait3A_364] : memref<16384x128xf32, #tpu.memory_space<hbm>> -> memref<128x128xf32, #tpu.memory_space<hbm>>
      tpu.wait_dma2 semaphore(%arg9 : memref<!tpu.dma_semaphore, #tpu.memory_space<semaphore_mem>>) src(%dma_wait3A_365 : memref<128x128xf32, #tpu.memory_space<hbm>>) dst(%dma_wait3A_362 : memref<128x128xf32, #tpu.memory_space<vmem>>)
      %add3A_366 = arith.constant 1 : i32
      %add3A_367 = arith.addi %scan3A_347, %add3A_366 : i32
      %lt3A = arith.constant 4 : i32
      %lt3A_368 = arith.cmpi slt, %add3A_367, %lt3A : i32
      %convert_element_type3A = arith.extui %lt3A_368 : i1 to i32
      %cond3A = arith.constant 0 : i32
      %cond3A_369 = arith.cmpi ne, %convert_element_type3A, %cond3A : i32
      scf.if %cond3A_369 {
        %add3A_389 = arith.constant 1 : i32
        %add3A_390 = arith.addi %scan3A_347, %add3A_389 : i32
        %mul3A_391 = arith.constant 4 : i32
        %mul3A_392 = arith.muli %add3A, %mul3A_391 : i32
        %add3A_393 = arith.addi %mul3A_392, %add3A_390 : i32
        %mul3A_394 = arith.constant 128 : i32
        %mul3A_395 = arith.muli %add3A_393, %mul3A_394 : i32
        %and3A_396 = arith.constant 1 : i32
        %and3A_397 = arith.andi %add3A_390, %and3A_396 : i32
        %dma_start3A_398 = arith.constant 0 : i32
        %dma_start3A_399 = arith.constant 0 : i32
        %dma_start3A_400 = tpu.memref_slice %arg7[%and3A_397, %dma_start3A_398, %dma_start3A_399] : memref<2x128x128xf32, #tpu.memory_space<vmem>> -> memref<1x128x128xf32, #tpu.memory_space<vmem>>
        %dma_start3A_401 = tpu.memref_squeeze %dma_start3A_400 : memref<1x128x128xf32, #tpu.memory_space<vmem>> -> memref<128x128xf32, #tpu.memory_space<vmem>>
        %dma_start3A_402 = arith.constant 0 : i32
        %dma_start3A_403 = tpu.memref_slice %arg2[%mul3A_395, %dma_start3A_402] : memref<16384x128xf32, #tpu.memory_space<hbm>> -> memref<128x128xf32, #tpu.memory_space<hbm>>
        %dma_start3A_404 = arith.constant 0 : i32
        %dma_start3A_405 = arith.constant 0 : i32
        %dma_start3A_406 = tpu.memref_slice %arg7[%and3A_397, %dma_start3A_404, %dma_start3A_405] : memref<2x128x128xf32, #tpu.memory_space<vmem>> -> memref<1x128x128xf32, #tpu.memory_space<vmem>>
        %dma_start3A_407 = tpu.memref_squeeze %dma_start3A_406 : memref<1x128x128xf32, #tpu.memory_space<vmem>> -> memref<128x128xf32, #tpu.memory_space<vmem>>
        %dma_start3A_408 = arith.constant 0 : i32
        %dma_start3A_409 = tpu.memref_slice %arg2[%mul3A_395, %dma_start3A_408] : memref<16384x128xf32, #tpu.memory_space<hbm>> -> memref<128x128xf32, #tpu.memory_space<hbm>>
        tpu.enqueue_dma source(%dma_start3A_409 : memref<128x128xf32, #tpu.memory_space<hbm>>) target(%dma_start3A_407 : memref<128x128xf32, #tpu.memory_space<vmem>>) target_semaphore(%arg9 : memref<!tpu.dma_semaphore, #tpu.memory_space<semaphore_mem>>)
      } else {
      }
      %broadcast_in_dim3A_370 = vector.broadcast %and3A_349 : i32 to vector<16xi32>
      %parallel_loop3A = arith.constant 0 : i32
      %parallel_loop3A_371 = arith.constant 128 : i32
      %parallel_loop3A_372 = arith.constant 1 : i32
      scf.for %parallel_loop3A_389 = %parallel_loop3A to %parallel_loop3A_371 step %parallel_loop3A_372  : i32 {
        %parallel_loop3A_390 = arith.constant 4 : i32
        %parallel_loop3A_391 = arith.shrsi %parallel_loop3A_389, %parallel_loop3A_390 : i32
        %parallel_loop3A_392 = arith.constant 16 : i32
        %parallel_loop3A_393 = arith.muli %parallel_loop3A_391, %parallel_loop3A_392 : i32
        %parallel_loop3A_394 = arith.constant 15 : i32
        %parallel_loop3A_395 = arith.andi %parallel_loop3A_389, %parallel_loop3A_394 : i32
        %parallel_loop3A_396 = vector.broadcast %parallel_loop3A_395 : i32 to vector<16xi32>
        %parallel_loop3A_397 = arith.addi %iota3A, %parallel_loop3A_396 : vector<16xi32>
        %parallel_loop3A_398 = arith.constant 15 : i32
        %parallel_loop3A_399 = vector.broadcast %parallel_loop3A_398 : i32 to vector<16xi32>
        %parallel_loop3A_400 = arith.andi %parallel_loop3A_397, %parallel_loop3A_399 : vector<16xi32>
        %parallel_loop3A_401 = vector.broadcast %parallel_loop3A_393 : i32 to vector<16xi32>
        %parallel_loop3A_402 = arith.addi %parallel_loop3A_401, %parallel_loop3A_400 : vector<16xi32>
        %parallel_loop3A_403 = tpu.vector_load_idx %arg7[%broadcast_in_dim3A_370, %parallel_loop3A_402, %gather3A] : memref<2x128x128xf32, #tpu.memory_space<vmem>>[vector<16xi32>, vector<16xi32>, vector<16xi32>], vector<16xf32>,
        %parallel_loop3A_404 = arith.addi %mul3A_276, %parallel_loop3A_402 : vector<16xi32>
        tpu.vector_store_idx %arg8[%broadcast_in_dim3A_370, %shift_right_arithmetic3A_250, %parallel_loop3A_404], %parallel_loop3A_403 : memref<2x64x256xf32, #tpu.memory_space<vmem>>[vector<16xi32>, vector<16xi32>, vector<16xi32>], vector<16xf32>,
        %parallel_loop3A_405 = tpu.vector_load_idx %arg7[%broadcast_in_dim3A_370, %parallel_loop3A_402, %gather3A_224] : memref<2x128x128xf32, #tpu.memory_space<vmem>>[vector<16xi32>, vector<16xi32>, vector<16xi32>], vector<16xf32>,
        %parallel_loop3A_406 = arith.addi %mul3A_282, %parallel_loop3A_402 : vector<16xi32>
        tpu.vector_store_idx %arg8[%broadcast_in_dim3A_370, %shift_right_arithmetic3A_253, %parallel_loop3A_406], %parallel_loop3A_405 : memref<2x64x256xf32, #tpu.memory_space<vmem>>[vector<16xi32>, vector<16xi32>, vector<16xi32>], vector<16xf32>,
        %parallel_loop3A_407 = tpu.vector_load_idx %arg7[%broadcast_in_dim3A_370, %parallel_loop3A_402, %gather3A_228] : memref<2x128x128xf32, #tpu.memory_space<vmem>>[vector<16xi32>, vector<16xi32>, vector<16xi32>], vector<16xf32>,
        %parallel_loop3A_408 = arith.addi %mul3A_288, %parallel_loop3A_402 : vector<16xi32>
        tpu.vector_store_idx %arg8[%broadcast_in_dim3A_370, %shift_right_arithmetic3A_256, %parallel_loop3A_408], %parallel_loop3A_407 : memref<2x64x256xf32, #tpu.memory_space<vmem>>[vector<16xi32>, vector<16xi32>, vector<16xi32>], vector<16xf32>,
        %parallel_loop3A_409 = tpu.vector_load_idx %arg7[%broadcast_in_dim3A_370, %parallel_loop3A_402, %gather3A_232] : memref<2x128x128xf32, #tpu.memory_space<vmem>>[vector<16xi32>, vector<16xi32>, vector<16xi32>], vector<16xf32>,
        %parallel_loop3A_410 = arith.addi %mul3A_294, %parallel_loop3A_402 : vector<16xi32>
        tpu.vector_store_idx %arg8[%broadcast_in_dim3A_370, %shift_right_arithmetic3A_259, %parallel_loop3A_410], %parallel_loop3A_409 : memref<2x64x256xf32, #tpu.memory_space<vmem>>[vector<16xi32>, vector<16xi32>, vector<16xi32>], vector<16xf32>,
        %parallel_loop3A_411 = tpu.vector_load_idx %arg7[%broadcast_in_dim3A_370, %parallel_loop3A_402, %gather3A_236] : memref<2x128x128xf32, #tpu.memory_space<vmem>>[vector<16xi32>, vector<16xi32>, vector<16xi32>], vector<16xf32>,
        %parallel_loop3A_412 = arith.addi %mul3A_300, %parallel_loop3A_402 : vector<16xi32>
        tpu.vector_store_idx %arg8[%broadcast_in_dim3A_370, %shift_right_arithmetic3A_262, %parallel_loop3A_412], %parallel_loop3A_411 : memref<2x64x256xf32, #tpu.memory_space<vmem>>[vector<16xi32>, vector<16xi32>, vector<16xi32>], vector<16xf32>,
        %parallel_loop3A_413 = tpu.vector_load_idx %arg7[%broadcast_in_dim3A_370, %parallel_loop3A_402, %gather3A_240] : memref<2x128x128xf32, #tpu.memory_space<vmem>>[vector<16xi32>, vector<16xi32>, vector<16xi32>], vector<16xf32>,
        %parallel_loop3A_414 = arith.addi %mul3A_306, %parallel_loop3A_402 : vector<16xi32>
        tpu.vector_store_idx %arg8[%broadcast_in_dim3A_370, %shift_right_arithmetic3A_265, %parallel_loop3A_414], %parallel_loop3A_413 : memref<2x64x256xf32, #tpu.memory_space<vmem>>[vector<16xi32>, vector<16xi32>, vector<16xi32>], vector<16xf32>,
        %parallel_loop3A_415 = tpu.vector_load_idx %arg7[%broadcast_in_dim3A_370, %parallel_loop3A_402, %gather3A_244] : memref<2x128x128xf32, #tpu.memory_space<vmem>>[vector<16xi32>, vector<16xi32>, vector<16xi32>], vector<16xf32>,
        %parallel_loop3A_416 = arith.addi %mul3A_312, %parallel_loop3A_402 : vector<16xi32>
        tpu.vector_store_idx %arg8[%broadcast_in_dim3A_370, %shift_right_arithmetic3A_268, %parallel_loop3A_416], %parallel_loop3A_415 : memref<2x64x256xf32, #tpu.memory_space<vmem>>[vector<16xi32>, vector<16xi32>, vector<16xi32>], vector<16xf32>,
        %parallel_loop3A_417 = tpu.vector_load_idx %arg7[%broadcast_in_dim3A_370, %parallel_loop3A_402, %gather3A_248] : memref<2x128x128xf32, #tpu.memory_space<vmem>>[vector<16xi32>, vector<16xi32>, vector<16xi32>], vector<16xf32>,
        %parallel_loop3A_418 = arith.addi %mul3A_318, %parallel_loop3A_402 : vector<16xi32>
        tpu.vector_store_idx %arg8[%broadcast_in_dim3A_370, %shift_right_arithmetic3A_271, %parallel_loop3A_418], %parallel_loop3A_417 : memref<2x64x256xf32, #tpu.memory_space<vmem>>[vector<16xi32>, vector<16xi32>, vector<16xi32>], vector<16xf32>,
      } {sc.loop_unroll_factor = 2 : i64, sc.parallel_access}
      %ge3A = arith.constant 2 : i32
      %ge3A_373 = arith.cmpi sge, %scan3A_347, %ge3A : i32
      %convert_element_type3A_374 = arith.extui %ge3A_373 : i1 to i32
      %cond3A_375 = arith.constant 0 : i32
      %cond3A_376 = arith.cmpi ne, %convert_element_type3A_374, %cond3A_375 : i32
      scf.if %cond3A_376 {
        %and3A_389 = arith.constant 1 : i32
        %and3A_390 = arith.andi %scan3A_347, %and3A_389 : i32
        %dma_wait3A_391 = arith.constant 0 : i32
        %dma_wait3A_392 = arith.constant 0 : i32
        %dma_wait3A_393 = arith.constant 0 : i32
        %dma_wait3A_394 = tpu.memref_slice %arg8[%and3A_390, %dma_wait3A_392, %dma_wait3A_393] : memref<2x64x256xf32, #tpu.memory_space<vmem>> -> memref<1x64x256xf32, #tpu.memory_space<vmem>>
        %dma_wait3A_395 = tpu.memref_squeeze %dma_wait3A_394 : memref<1x64x256xf32, #tpu.memory_space<vmem>> -> memref<64x256xf32, #tpu.memory_space<vmem>>
        %dma_wait3A_396 = arith.constant 0 : i32
        %dma_wait3A_397 = tpu.memref_slice %arg6[%dma_wait3A_391, %dma_wait3A_396] : memref<4x64xi32, #tpu.memory_space<vmem>> -> memref<1x64xi32, #tpu.memory_space<vmem>>
        %dma_wait3A_398 = tpu.memref_squeeze %dma_wait3A_397 : memref<1x64xi32, #tpu.memory_space<vmem>> -> memref<64xi32, #tpu.memory_space<vmem>>
        %dma_wait3A_399 = arith.constant 0 : i32
        %dma_wait3A_400 = arith.constant 0 : i32
        %dma_wait3A_401 = tpu.memref_slice %arg4[%dma_wait3A_399, %dma_wait3A_400] : memref<8192x256xf32, #tpu.memory_space<hbm>> -> memref<8192x256xf32, #tpu.memory_space<hbm>>
        tpu.wait_indirect_dma semaphore(%arg10 : memref<!tpu.dma_semaphore, #tpu.memory_space<semaphore_mem>>) src(%dma_wait3A_395 : memref<64x256xf32, #tpu.memory_space<vmem>>) dst(%dma_wait3A_401 : memref<8192x256xf32, #tpu.memory_space<hbm>>)
      } else {
      }
      %and3A_377 = arith.constant 1 : i32
      %and3A_378 = arith.andi %scan3A_347, %and3A_377 : i32
      %dma_start3A_379 = arith.constant 0 : i32
      %dma_start3A_380 = arith.constant 0 : i32
      %dma_start3A_381 = tpu.memref_slice %arg8[%and3A_378, %dma_start3A_379, %dma_start3A_380] : memref<2x64x256xf32, #tpu.memory_space<vmem>> -> memref<1x64x256xf32, #tpu.memory_space<vmem>>
      %dma_start3A_382 = tpu.memref_squeeze %dma_start3A_381 : memref<1x64x256xf32, #tpu.memory_space<vmem>> -> memref<64x256xf32, #tpu.memory_space<vmem>>
      %dma_start3A_383 = arith.constant 0 : i32
      %dma_start3A_384 = tpu.memref_slice %arg6[%scan3A_347, %dma_start3A_383] : memref<4x64xi32, #tpu.memory_space<vmem>> -> memref<1x64xi32, #tpu.memory_space<vmem>>
      %dma_start3A_385 = tpu.memref_squeeze %dma_start3A_384 : memref<1x64xi32, #tpu.memory_space<vmem>> -> memref<64xi32, #tpu.memory_space<vmem>>
      %dma_start3A_386 = arith.constant 0 : i32
      %dma_start3A_387 = arith.constant 0 : i32
      %dma_start3A_388 = tpu.memref_slice %arg4[%dma_start3A_386, %dma_start3A_387] : memref<8192x256xf32, #tpu.memory_space<hbm>> -> memref<8192x256xf32, #tpu.memory_space<hbm>>
      tpu.enqueue_indirect_dma source(%dma_start3A_382 : memref<64x256xf32, #tpu.memory_space<vmem>>) target(%dma_start3A_388 : memref<8192x256xf32, #tpu.memory_space<hbm>>) offsets(%dma_start3A_385 : memref<64xi32, #tpu.memory_space<vmem>>) semaphore(%arg10 : memref<!tpu.dma_semaphore, #tpu.memory_space<semaphore_mem>>)
    }
    %scan3A_323 = arith.constant 4 : i32
    %dma_wait3A = arith.constant 0 : i32
    %dma_wait3A_324 = arith.constant 0 : i32
    %dma_wait3A_325 = arith.constant 0 : i32
    %dma_wait3A_326 = arith.constant 0 : i32
    %dma_wait3A_327 = tpu.memref_slice %arg8[%dma_wait3A, %dma_wait3A_325, %dma_wait3A_326] : memref<2x64x256xf32, #tpu.memory_space<vmem>> -> memref<1x64x256xf32, #tpu.memory_space<vmem>>
    %dma_wait3A_328 = tpu.memref_squeeze %dma_wait3A_327 : memref<1x64x256xf32, #tpu.memory_space<vmem>> -> memref<64x256xf32, #tpu.memory_space<vmem>>
    %dma_wait3A_329 = arith.constant 0 : i32
    %dma_wait3A_330 = tpu.memref_slice %arg6[%dma_wait3A_324, %dma_wait3A_329] : memref<4x64xi32, #tpu.memory_space<vmem>> -> memref<1x64xi32, #tpu.memory_space<vmem>>
    %dma_wait3A_331 = tpu.memref_squeeze %dma_wait3A_330 : memref<1x64xi32, #tpu.memory_space<vmem>> -> memref<64xi32, #tpu.memory_space<vmem>>
    %dma_wait3A_332 = arith.constant 0 : i32
    %dma_wait3A_333 = arith.constant 0 : i32
    %dma_wait3A_334 = tpu.memref_slice %arg4[%dma_wait3A_332, %dma_wait3A_333] : memref<8192x256xf32, #tpu.memory_space<hbm>> -> memref<8192x256xf32, #tpu.memory_space<hbm>>
    tpu.wait_indirect_dma semaphore(%arg10 : memref<!tpu.dma_semaphore, #tpu.memory_space<semaphore_mem>>) src(%dma_wait3A_328 : memref<64x256xf32, #tpu.memory_space<vmem>>) dst(%dma_wait3A_334 : memref<8192x256xf32, #tpu.memory_space<hbm>>)
    %dma_wait3A_335 = arith.constant 1 : i32
    %dma_wait3A_336 = arith.constant 0 : i32
    %dma_wait3A_337 = arith.constant 0 : i32
    %dma_wait3A_338 = arith.constant 0 : i32
    %dma_wait3A_339 = tpu.memref_slice %arg8[%dma_wait3A_335, %dma_wait3A_337, %dma_wait3A_338] : memref<2x64x256xf32, #tpu.memory_space<vmem>> -> memref<1x64x256xf32, #tpu.memory_space<vmem>>
    %dma_wait3A_340 = tpu.memref_squeeze %dma_wait3A_339 : memref<1x64x256xf32, #tpu.memory_space<vmem>> -> memref<64x256xf32, #tpu.memory_space<vmem>>
    %dma_wait3A_341 = arith.constant 0 : i32
    %dma_wait3A_342 = tpu.memref_slice %arg6[%dma_wait3A_336, %dma_wait3A_341] : memref<4x64xi32, #tpu.memory_space<vmem>> -> memref<1x64xi32, #tpu.memory_space<vmem>>
    %dma_wait3A_343 = tpu.memref_squeeze %dma_wait3A_342 : memref<1x64xi32, #tpu.memory_space<vmem>> -> memref<64xi32, #tpu.memory_space<vmem>>
    %dma_wait3A_344 = arith.constant 0 : i32
    %dma_wait3A_345 = arith.constant 0 : i32
    %dma_wait3A_346 = tpu.memref_slice %arg4[%dma_wait3A_344, %dma_wait3A_345] : memref<8192x256xf32, #tpu.memory_space<hbm>> -> memref<8192x256xf32, #tpu.memory_space<hbm>>
    tpu.wait_indirect_dma semaphore(%arg10 : memref<!tpu.dma_semaphore, #tpu.memory_space<semaphore_mem>>) src(%dma_wait3A_340 : memref<64x256xf32, #tpu.memory_space<vmem>>) dst(%dma_wait3A_346 : memref<8192x256xf32, #tpu.memory_space<hbm>>)
    return
  }
}

</mosaic_0001>

<sc_bundles>
// kernel: kernel.3.cloned.1.call-start
scs
__scs_entry_jumppad:
0x0: {  	(pc) =	sbr.rel $0x88, $3  }
0x1: {  	(tag) =	ssettag $0x0;
	lr =	simm.s32 $0x1  }
0x2: {  	[smem:$0x3F9F] =	sst lr;
	_ =	strace $0xD0000000  }
0x3: {  	_ = 	snop  }
0x4: {  	_ = 	snop  }
0x5: {  	_ = 	snop  }
0x6: {  	_ = 	snop  }
0x7: {  	_ = 	snop  }
__scs_overlays_trampoline_lowered:
0x8: {  	[smem:$0x3FAE] =	sst s0  }
0x9: {  	[smem:$0x3FAF] =	sst s1  }
0xa: {  	[smem:$0x3FB0] =	sst s2  }
0xb: {  	[smem:$0x3FB1] =	sst s3  }
0xc: {  	[smem:$0x3FB2] =	sst s4  }
0xd: {  	[smem:$0x3FB3] =	sst s5  }
0xe: {  	[smem:$0x3FB4] =	sst s6  }
0xf: {  	[smem:$0x3FB5] =	sst s7  }
0x10: {  	[smem:$0x3FB6] =	sst s8  }
0x11: {  	[smem:$0x3FB7] =	sst s9;
	s0 =	simm.s32 @!p0 $0x0  }
0x12: {  	s1 =	sld [smem:$0x3F9D];
	s0 =	simm.s32 @p0 $0x1  }
0x13: {  	[smem:$0x3FB8] =	sst s0;
	s0 =	simm.s32 @!p1 $0x0  }
0x14: {  	s2 =	sld [smem:$0x3F9C];
	s0 =	simm.s32 @p1 $0x1  }
0x15: {  	[smem:$0x3FB9] =	sst s0;
	s0 =	simm.s32 @!p2 $0x0  }
0x16: {  	s3 =	sld [smem:$0x3FDB];
	s0 =	simm.s32 @p2 $0x1  }
0x17: {  	s4 =	simm.s32 $0x1BF5;
	[smem:$0x3FBB] =	sst s0  }
0x18: {  	s0 =	sld [smem:$0x3F9E];
	_ =	swait.ge [sflag:s4], $0x0  }
0x19: {  	s7 =	sld [smem:$0x3F9F]  }
0x1a: {  	s8 =	sadd.s32 $0xFFFFE003, lr  }
0x1b: {  	s9 =	sadd.s32 $0xFFFFFEF7, lr;
	s5 =	simm.s32 $0xFFFFFFFF;
	p2 =	slt.u32 s8, $0xFFFFF086  }
0x1c: {  	p1 =	slt.u32 s9, $0xF7A;
	s5 =	simm.s32 @!p2 $0x0  }
0x1d: {  	s5 =	simm.s32 @p1 $0x1;
	p0 =	seq.s32 s7, s2  }
0x1e: {  	s7 =	smul.u32 @!p0 $0xF7A, s2;
	p2 =	seq.s32 @!p0 s5, $0x0  }
0x1f: {  	s9 =	smul.u32 $0xF7A, s1;
	s8 =	simm.s32 @!p0 $0x1BF5;
	p2 =	por !p2, p0  }
0x20: {  	[sflag:s8] =	ssyncset.s32 @!p0 $0xFFFFF086;
	s6 =	sadd.s32 @!p0 s3, s7;
	s7 =	simm.s32 @!p0 $0x108  }
0x21: {  	s3 =	sadd.s32 s3, s9;
	s6 =	sadd.s32 @!p0 $0x88, s6;
	s7 =	simm.s32 @p2 $0x1082  }
0x22: {  	[simem:s7], [sflag:s8] =	dma.local @!p0 [hbm:s6], $0xF7A  }
0x23: {  	s9 =	sor.u32 $0xD0000000, s2;
	s6 =	simm.s32 $0x108;
	_ =	swait.ge @!p0 [sflag:s8], $0x0  }
0x24: {  	s3 =	sadd.s32 $0x88, s3;
	s6 =	simm.s32 @!p1 $0x1082;
	[sflag:s4] =	ssyncset.s32 $0xFFFFF086  }
0x25: {  	[simem:s6], [sflag:s4] =	dma.local [hbm:s3], $0xF7A  }
0x26: {  	[smem:$0x3F9F] =	sst s1;
	(tag) =	ssettag s2;
	_ =	strace s9  }
0x27: {  	s1 =	sld [smem:$0x3FAF]  }
0x28: {  	s2 =	sld [smem:$0x3FB0]  }
0x29: {  	s4 =	sld [smem:$0x3FB2]  }
0x2a: {  	p0 =	seq.s32 s5, $0x0;
	s5 =	sld [smem:$0x3FB3]  }
0x2b: {  	s6 =	sld [smem:$0x3FB4]  }
0x2c: {  	s7 =	sld [smem:$0x3FB5]  }
0x2d: {  	s3 =	simm.s32 $0x108;
	s8 =	sld [smem:$0x3FB6]  }
0x2e: {  	s3 =	simm.s32 @!p0 $0x1082;
	s9 =	sld [smem:$0x3FB7]  }
0x2f: {  	lr =	sadd.s32 s0, s3;
	s0 =	sld [smem:$0x3FAE]  }
0x30: {  	s3 =	sld [smem:$0x3FB1]  }
0x31: {  	[smem:$0x3FBA] =	sst s10  }
0x32: {  	s10 =	sld [smem:$0x3FB8];
	_ =	sdelay $0x3  }
0x33: {  	p0 =	seq.s32 s10, $0x1;
	s10 =	sld [smem:$0x3FBA];
	_ =	sdelay $0x3  }
0x34: {  	[smem:$0x3FBA] =	sst s10  }
0x35: {  	s10 =	sld [smem:$0x3FB9];
	_ =	sdelay $0x3  }
0x36: {  	p1 =	seq.s32 s10, $0x1;
	s10 =	sld [smem:$0x3FBA];
	_ =	sdelay $0x3  }
0x37: {  	[smem:$0x3FBA] =	sst s10  }
0x38: {  	s10 =	sld [smem:$0x3FBB]  }
0x39: {  	_ = 	snop;
	(pc) =	sbr.ind lr, $3  }
0x3a: {  	_ = 	snop  }
0x3b: {  	_ = 	snop  }
0x3c: {  	p2 =	seq.s32 s10, $0x1;
	s10 =	sld [smem:$0x3FBA]  }
0x3d: {  	_ =	shalt  }
0x3e: {  	_ =	shalt  }
0x3f: {  	_ =	shalt  }
0x40: {  	_ =	shalt  }
0x41: {  	_ =	shalt  }
0x42: {  	_ =	shalt  }
0x43: {  	_ =	shalt  }
0x44: {  	_ =	shalt  }
0x45: {  	_ =	shalt  }
0x46: {  	_ =	shalt  }
0x47: {  	_ =	shalt  }
0x48: {  	_ =	shalt  }
0x49: {  	_ =	shalt  }
0x4a: {  	_ =	shalt  }
0x4b: {  	_ =	shalt  }
0x4c: {  	_ =	shalt  }
0x4d: {  	_ =	shalt  }
0x4e: {  	_ =	shalt  }
0x4f: {  	_ =	shalt  }
0x50: {  	_ =	shalt  }
0x51: {  	_ =	shalt  }
0x52: {  	_ =	shalt  }
0x53: {  	_ =	shalt  }
0x54: {  	_ =	shalt  }
0x55: {  	_ =	shalt  }
0x56: {  	_ =	shalt  }
0x57: {  	_ =	shalt  }
0x58: {  	_ =	shalt  }
0x59: {  	_ =	shalt  }
0x5a: {  	_ =	shalt  }
0x5b: {  	_ =	shalt  }
0x5c: {  	_ =	shalt  }
0x5d: {  	_ =	shalt  }
0x5e: {  	_ =	shalt  }
0x5f: {  	_ =	shalt  }
0x60: {  	_ =	shalt  }
0x61: {  	_ =	shalt  }
0x62: {  	_ =	shalt  }
0x63: {  	_ =	shalt  }
0x64: {  	_ =	shalt  }
0x65: {  	_ =	shalt  }
0x66: {  	_ =	shalt  }
0x67: {  	_ =	shalt  }
0x68: {  	_ =	shalt  }
0x69: {  	_ =	shalt  }
0x6a: {  	_ =	shalt  }
0x6b: {  	_ =	shalt  }
0x6c: {  	_ =	shalt  }
0x6d: {  	_ =	shalt  }
0x6e: {  	_ =	shalt  }
0x6f: {  	_ =	shalt  }
0x70: {  	_ =	shalt  }
0x71: {  	_ =	shalt  }
0x72: {  	_ =	shalt  }
0x73: {  	_ =	shalt  }
0x74: {  	_ =	shalt  }
0x75: {  	_ =	shalt  }
0x76: {  	_ =	shalt  }
0x77: {  	_ =	shalt  }
0x78: {  	_ =	shalt  }
0x79: {  	_ =	shalt  }
0x7a: {  	_ =	shalt  }
0x7b: {  	_ =	shalt  }
0x7c: {  	_ =	shalt  }
0x7d: {  	_ =	shalt  }
0x7e: {  	_ =	shalt  }
0x7f: {  	_ =	shalt  }
0x80: {  	_ =	shalt  }
0x81: {  	_ =	shalt  }
0x82: {  	_ =	shalt  }
0x83: {  	_ =	shalt  }
0x84: {  	_ =	shalt  }
0x85: {  	_ =	shalt  }
0x86: {  	_ =	shalt  }
0x87: {  	_ =	shalt  }
.Lfunc_end0:
.L_simem_size_0:
called_computation_lowered:
.L_overlay_start_0:
0x88: {  	s2 =	sld [smem:$0x3FD9]  }
0x89: {  	s3 =	sld [smem:$0x3FFE];
	_ =	sdelay $0x1  }
0x8a: {  	s1 =	srdreg.scid  }
0x8b: {  	s0 =	sand.u32 $0x1, s1  }
0x8c: {  	s17 =	sshll.u32 s0, $0xA;
	s2 =	sadd.s32 s3, s2  }
0x8d: {  	s2 =	sadd.s32 s2, s17  }
0x8e: {  	[smem:$0x3FC6] =	sst s2  }
0x8f: {  	_ = 	snop  }
0x90: {  	s2 =	sld [smem:$0x3FC9]  }
0x91: {  	s18 =	sld [smem:$0x3FD0];
	(tm) =	ssettm $0x1  }
0x92: {  	s4 =	sld [smem:$0x3FFB];
	_ =	sdelay $0x3  }
0x93: {  	_ =	strace s4  }
0x94: {  	s4 =	sld [smem:$0x3FFC];
	_ =	sdelay $0x3  }
0x95: {  	_ =	strace s4  }
0x96: {  	s4 =	sld [smem:$0x3FFD];
	_ =	sdelay $0x3  }
0x97: {  	_ =	strace s4  }
0x98: {  	_ =	strace $0x8FFFFFFF  }
0x99: {  	s19 =	sld [smem:$0x3FDB];
	_ =	sdelay $0x1  }
0x9a: {  	s5 =	simm.s32 $_scs_section_size  }
0x9b: {  	s6 =	simm.s32 $_size__tile_overlayer_lowered;
	s7 =	simm.s32 $_tile_overlayer_lowered  }
0x9c: {  	s22 =	simm.s32 $0x1BFF;
	s21 =	sshll.u32 s7, $0x1;
	s4 =	sadd.s32 s5, s19  }
0x9d: {  	s8 =	simm.s32 $0x0;
	s20 =	sshll.u32 s6, $0x1;
	s6 =	sadd.s32 s21, s4  }
0x9e: {  	[timem:s8], [sflag:s22] =	dma.local [hbm:s6], s20  }
0x9f: {  	_ =	swait.ge [sflag:s22], s20  }
0xa0: {  	s5 =	ssub.s32 $0x0, s20;
	[sflag:s22] =	ssyncset.done $0x0  }
0xa1: {  	[sflag:s22] =	ssyncadd.s32 s5;
	_ =	sdelay $0x1  }
0xa2: {  	s23 =	simm.s32 $0x1B8B  }
0xa3: {  	_ =	swait.ge [sflag:s23], $0x1  }
0xa4: {  	[sflag:s23] =	ssyncset.done $0x0  }
0xa5: {  	s25 =	simm.s32 $0x1B8E;
	s24 =	sld [smem:$0x3FFE];
	[sflag:s23] =	ssyncadd.s32 $0xFFFFFFFF  }
0xa6: {  	s26 =	simm.s32 $execute0_lowered;
	[smem:$0x3FD2] =	sst s25  }
0xa7: {  	s6 =	sshll.u32 s26, $0x1;
	_ =	strace $0x80000046;
	[dreg:$0x1] =	wrdreg $0xFFFFFFFF  }
0xa8: {  	s28 =	simm.s32 $_size_execute0_lowered;
	s4 =	sadd.s32 s4, s6;
	[dreg:$0x0] =	wrdreg $0x0  }
0xa9: {  	s6 =	sshll.u32 s28, $0x1;
	[dreg:$0x2] =	wrdreg s4  }
0xaa: {  	[dreg:$0x3] =	wrdreg s6  }
0xab: {  	[dreg:$0x4] =	wrdreg $0xC0  }
0xac: {  	_ =	task [dreg:s8], $0x5FFFF  }
0xad: {  	[dreg:$0x1] =	wrdreg $0xFFFFFFFF  }
0xae: {  	[dreg:$0x0] =	wrdreg $0x60  }
0xaf: {  	[dreg:$0x2] =	wrdreg s2  }
0xb0: {  	[dreg:$0x3] =	wrdreg s24  }
0xb1: {  	[dreg:$0x4] =	wrdreg s18  }
0xb2: {  	[dreg:$0x5] =	wrdreg $0x9  }
0xb3: {  	_ =	task.clear_ibuf [dreg:s8], $0x6FFFF;
	_ =	strace $0x90000046  }
0xb4: {  	s29 =	simm.s32 $0x9;
	_ =	strace $0x80000048  }
0xb5: {  	_ =	swait.ge [sflag:s29], $0x1  }
0xb6: {  	[sflag:s29] =	ssyncadd.s32 $0xFFFFFFFF  }
0xb7: {  	_ =	strace $0x90000048  }
0xb8: {  	_ =	sfence  }
0xb9: {  	s30 =	sld [smem:$0x0];
	_ =	sdelay $0x2  }
0xba: {  	s31 =	sshll.u32 s1, $0xD;
	s1 =	sshrl.u32 s1, $0x2  }
0xbb: {  	s3 =	sand.u32 $0x4000, s31;
	s1 =	sadd.s32 s1, s30  }
0xbc: {  	s0 =	sor.u32 s3, s0;
	s1 =	sshll.u32 s1, $0x11  }
0xbd: {  	s0 =	sor.u32 s1, s0  }
0xbe: {  	s0 =	sadd.s32 $0x8F2B, s0  }
0xbf: {  	[sflag:s0] =	ssyncadd.remote.s32 $0x1  }
0xc0: {  	_ =	sfence.sel $0xFFFF  }
0xc1: {  	[dreg:$0x0] =	wrdreg $0xFFFFFFFF;
	(pc) =	sbr.abs _section_cstart, $3  }
0xc2: {  	[dreg:$0x1] =	wrdreg $0xFFFFFFFF  }
0xc3: {  	_ =	task.clear_ibuf [dreg:s8], $0x2FFFF;
	_ =	strace $0x9FFFFFFF  }
0xc4: {  	(tm) =	ssettm $0x7FFFFFFF  }
0xc5: {  	_ =	shalt  }
tec
execute0_lowered:
.L_overlay_start_1:
0x0: {  	(tag) =	ssettag $0x1  }
0x1: {  	s1 =	srdreg.scid;
	s0 =	stileid.u32  }
0x2: {  	v0 =	vlaneseq.u32;
	s6 =	sand.u32 $0x1, s1;
	s29 =	sshll.u32 s0, $0x1  }
0x3: {  	v1 =	vmul.u32 $0x80, v0;
	s7 =	sor.u32 s6, s29  }
0x4: {  	s1 =	sshll.u32 s7, $0x2  }
0x5: {  	v3 =	vor.u32 $0x1000, v1;
	v2 =	vor.u32 s1, v1  }
0x6: {  	v55 =	vor.u32 $0x1800, v1;
	v54 =	vor.u32 s1, v3;
	[tilespmem:$0x1FDF0] =	vst v2  }
0x7: {  	s2 =	sor.u32 $0x1, s1;
	v5 =	vor.u32 s1, v55;
	[tilespmem:$0x1FE10] =	vst v54  }
0x8: {  	[tilespmem:$0x1FE20] =	vst v5;
	v56 =	vor.u32 s2, v1  }
0x9: {  	v58 =	vor.u32 s2, v3;
	[tilespmem:$0x1FE30] =	vst v56  }
0xa: {  	s3 =	sor.u32 $0x2, s1;
	v59 =	vor.u32 s2, v55;
	[tilespmem:$0x1FE50] =	vst v58  }
0xb: {  	v60 =	vor.u32 s3, v1;
	[tilespmem:$0x1FE60] =	vst v59  }
0xc: {  	v62 =	vor.u32 s3, v3;
	[tilespmem:$0x1FE70] =	vst v60  }
0xd: {  	s30 =	sshllo.u32 s7, $0x2;
	v63 =	vor.u32 s3, v55;
	[tilespmem:$0x1FE90] =	vst v62  }
0xe: {  	v2 =	vor.u32 $0x800, v1;
	v1 =	vor.u32 s30, v1;
	[tilespmem:$0x1FEA0] =	vst v63  }
0xf: {  	v4 =	vor.u32 s1, v2;
	[tilespmem:$0x1FEB0] =	vst v1  }
0x10: {  	v57 =	vor.u32 s2, v2;
	[tilespmem:$0x1FE00] =	vst v4  }
0x11: {  	v61 =	vor.u32 s3, v2;
	[tilespmem:$0x1FE40] =	vst v57  }
0x12: {  	v1 =	vor.u32 s30, v2;
	[tilespmem:$0x1FE80] =	vst v61  }
0x13: {  	[tilespmem:$0x1FEC0] =	vst v1;
	v1 =	vor.u32 s30, v3  }
0x14: {  	[tilespmem:$0x1FED0] =	vst v1;
	v1 =	vor.u32 s30, v55  }
0x15: {  	[tilespmem:$0x1FEE0] =	vst v1;
	v1 =	vor.u32 $0x10, v0  }
0x16: {  	[tilespmem:$0x1FEF0] =	vst v1;
	v1 =	vor.u32 $0x20, v0  }
0x17: {  	[tilespmem:$0x1FF00] =	vst v1;
	v1 =	vor.u32 $0x30, v0  }
0x18: {  	[tilespmem:$0x1FF10] =	vst v1;
	v1 =	vor.u32 $0x40, v0  }
0x19: {  	[tilespmem:$0x1FF20] =	vst v1;
	v1 =	vor.u32 $0x50, v0  }
0x1a: {  	[tilespmem:$0x1FF30] =	vst v1;
	v1 =	vor.u32 $0x60, v0  }
0x1b: {  	[tilespmem:$0x1FF40] =	vst v1;
	v1 =	vor.u32 $0x70, v0  }
0x1c: {  	s8 =	rddreg [dreg:$0x1];
	[tilespmem:$0x1FF50] =	vst v1;
	v1 =	vor.u32 $0x80, v0  }
0x1d: {  	s4 =	rddreg [dreg:$0x2];
	s5 =	simm.s32 $0x0;
	[tilespmem:$0x1FF60] =	vst v1;
	v1 =	vor.u32 $0x90, v0  }
0x1e: {  	[smem:$0x7FF] =	sst s5;
	[tilespmem:$0x1FF70] =	vst v1;
	v1 =	vor.u32 $0xA0, v0  }
0x1f: {  	s2 =	rddreg [dreg:$0x0];
	v2 =	vor.u32 $0xB0, v0;
	[tilespmem:$0x1FF80] =	vst v1  }
0x20: {  	s3 =	rddreg [dreg:$0x3];
	v1 =	vshrl.u32 v0, $0x1;
	_ =	strace $0x80000047;
	[tilespmem:$0x1FF90] =	vst v2;
	v2 =	vor.u32 $0xC0, v0  }
0x21: {  	[tilespmem:$0x1FFA0] =	vst v2;
	v2 =	vmul.u32 $0x100, v1;
	v1 =	vor.u32 $0xD0, v0  }
0x22: {  	[tilespmem:$0x1FFB0] =	vst v1;
	v1 =	vor.u32 $0xE0, v0  }
0x23: {  	s11 =	simm.s32 $0x2;
	s12 =	simm.s32 $0x1;
	[tilespmem:$0x1FFC0] =	vst v1;
	v1 =	vor.u32 $0xF0, v0  }
0x24: {  	s13 =	simm.s32 $0x8180;
	s14 =	simm.s32 $0x40;
	s9 =	ssub.s32 $0x2, s6;
	[tilespmem:$0x1FFD0] =	vst v1;
	v1 =	vor.u32 $0x800, v2  }
0x25: {  	s15 =	simm.s32 $0x0;
	s6 =	sadd.s32 $0x400, s8;
	s10 =	sshrl.u32 s9, $0x1;
	v35 =	vor.u32 $0x1800, v2;
	[tilespmem:$0x1FFE0] =	vst v1;
	v1 =	vor.u32 $0x1000, v2  }
0x26: {  	s7 =	sshll.u32 s7, $0xD;
	s31 =	ssub.s32 s9, s10;
	s9 =	simm.s32 $0x180;
	v36 =	vor.u32 $0x2000, v2;
	v37 =	vor.u32 $0x2800, v2;
	[tilespmem:$0x1FFF0] =	vst v1;
	v1 =	vand.u32 $0x1, v0  }
0x27: {  	s10 =	simm.s32 $0x80;
	s8 =	smax.u32 s31, $0x1;
	s7 =	sadd.s32 s2, s7;
	v38 =	vor.u32 $0x3000, v2;
	v34 =	vmovc v2;
	v39 =	vor.u32 $0x3800, v2;
	v40 =	vmul.u32 $0x80, v1  }
.LBB2_1:
0x28: {  	v1 =	vld [tilespmem:$0x1FDF0];
	_ =	sdelay $0x1  }
0x29: {  	[tilespmem:s9], [sflag:$0x1] =	stream.linear.gather [hbm4b:s7+s5], $0x4000, $0x38;
	v2 =	vld [tilespmem:$0x1FEF0]  }
0x2a: {  	_ = 	snop  }
0x2b: {  	[tilespmem:s5], [sflag:$0x2] =	stream.linear.gather [hbm4b:s6+s5], $0x80, $0x38;
	[tilespmem:$0x10180] =	vst v63  }
0x2c: {  	[tilespmem:v0+s10+$0x0] =	vst.idx.msk $0xffff, v1;
	v1 =	vld [tilespmem:$0x1FE00];
	_ =	sdelay $0x1  }
0x2d: {  	v3 =	vld [tilespmem:$0x1FF00];
	_ =	sdelay $0x2  }
0x2e: {  	[tilespmem:v2+s10+$0x0] =	vst.idx.msk $0xffff, v1;
	v1 =	vld [tilespmem:$0x1FE10];
	_ =	sdelay $0x1  }
0x2f: {  	v4 =	vld [tilespmem:$0x1FF10];
	_ =	sdelay $0x2  }
0x30: {  	[tilespmem:v3+s10+$0x0] =	vst.idx.msk $0xffff, v1;
	v1 =	vld [tilespmem:$0x1FE20];
	_ =	sdelay $0x1  }
0x31: {  	v5 =	vld [tilespmem:$0x1FF20];
	_ =	sdelay $0x2  }
0x32: {  	[tilespmem:v4+s10+$0x0] =	vst.idx.msk $0xffff, v1;
	v1 =	vld [tilespmem:$0x1FE30];
	_ =	sdelay $0x1  }
0x33: {  	v6 =	vld [tilespmem:$0x1FF30];
	_ =	sdelay $0x2  }
0x34: {  	[tilespmem:v5+s10+$0x0] =	vst.idx.msk $0xffff, v1;
	v1 =	vld [tilespmem:$0x1FE40];
	_ =	sdelay $0x1  }
0x35: {  	v7 =	vld [tilespmem:$0x1FF40];
	_ =	sdelay $0x2  }
0x36: {  	[tilespmem:v6+s10+$0x0] =	vst.idx.msk $0xffff, v1;
	v1 =	vld [tilespmem:$0x1FE50];
	_ =	sdelay $0x1  }
0x37: {  	v8 =	vld [tilespmem:$0x1FF50];
	_ =	sdelay $0x2  }
0x38: {  	[tilespmem:v7+s10+$0x0] =	vst.idx.msk $0xffff, v1;
	v1 =	vld [tilespmem:$0x1FE60];
	_ =	sdelay $0x1  }
0x39: {  	v9 =	vld [tilespmem:$0x1FF60];
	_ =	sdelay $0x2  }
0x3a: {  	[tilespmem:v8+s10+$0x0] =	vst.idx.msk $0xffff, v1;
	v1 =	vld [tilespmem:$0x1FE70];
	_ =	sdelay $0x1  }
0x3b: {  	v57 =	vld [tilespmem:$0x1FF70];
	_ =	sdelay $0x2  }
0x3c: {  	[tilespmem:v9+s10+$0x0] =	vst.idx.msk $0xffff, v1;
	v1 =	vld [tilespmem:$0x1FE80];
	_ =	sdelay $0x1  }
0x3d: {  	v58 =	vld [tilespmem:$0x1FF80];
	_ =	sdelay $0x2  }
0x3e: {  	[tilespmem:v57+s10+$0x0] =	vst.idx.msk $0xffff, v1;
	v1 =	vld [tilespmem:$0x1FE90];
	_ =	sdelay $0x1  }
0x3f: {  	v59 =	vld [tilespmem:$0x1FF90];
	_ =	sdelay $0x2  }
0x40: {  	[tilespmem:v58+s10+$0x0] =	vst.idx.msk $0xffff, v1;
	v1 =	vld [tilespmem:$0x1FEA0];
	_ =	sdelay $0x1  }
0x41: {  	v60 =	vld [tilespmem:$0x1FFA0];
	_ =	sdelay $0x2  }
0x42: {  	[tilespmem:v59+s10+$0x0] =	vst.idx.msk $0xffff, v1;
	v1 =	vld [tilespmem:$0x1FEB0];
	_ =	sdelay $0x1  }
0x43: {  	v61 =	vld [tilespmem:$0x1FFB0];
	_ =	sdelay $0x2  }
0x44: {  	[tilespmem:v60+s10+$0x0] =	vst.idx.msk $0xffff, v1;
	v1 =	vld [tilespmem:$0x1FEC0];
	_ =	sdelay $0x1  }
0x45: {  	v62 =	vld [tilespmem:$0x1FFC0];
	_ =	sdelay $0x2  }
0x46: {  	[tilespmem:v61+s10+$0x0] =	vst.idx.msk $0xffff, v1;
	v1 =	vld [tilespmem:$0x1FED0];
	_ =	sdelay $0x1  }
0x47: {  	v63 =	vld [tilespmem:$0x1FFD0];
	_ =	sdelay $0x2  }
0x48: {  	[tilespmem:v62+s10+$0x0] =	vst.idx.msk $0xffff, v1;
	v1 =	vld [tilespmem:$0x1FEE0];
	_ =	sdelay $0x4  }
0x49: {  	[tilespmem:v63+s10+$0x0] =	vst.idx.msk $0xffff, v1  }
0x4a: {  	_ =	swait.ge [sflag:s11], $0x80  }
0x4b: {  	[sflag:s11] =	ssyncset.done $0x0  }
0x4c: {  	[sflag:s11] =	ssyncadd.s32 $0xFFFFFF80  }
0x4d: {  	v41 =	vld.idx.msk [tilespmem:v0+s5+$0x0], $0xffff  }
0x4e: {  	v42 =	vld.idx.msk [tilespmem:v2+s5+$0x0], $0xffff  }
0x4f: {  	v45 =	vld.idx.msk [tilespmem:v5+s5+$0x0], $0xffff  }
0x50: {  	v46 =	vld.idx.msk [tilespmem:v6+s5+$0x0], $0xffff  }
0x51: {  	v43 =	vld.idx.msk [tilespmem:v3+s5+$0x0], $0xffff  }
0x52: {  	v44 =	vld.idx.msk [tilespmem:v4+s5+$0x0], $0xffff  }
0x53: {  	v47 =	vld.idx.msk [tilespmem:v7+s5+$0x0], $0xffff  }
0x54: {  	s16 =	simm.s32 $0x0;
	v48 =	vld.idx.msk [tilespmem:v8+s5+$0x0], $0xffff  }
.LBB2_2:
0x55: {  	s17 =	simm.s32 $0x0  }
0x56: {  	s18 =	sand.u32 $0xE, s17  }
0x57: {  	v2 =	vadd.s32 s18, v0;
	s18 =	sor.u32 $0x1, s18  }
0x58: {  	s19 =	sand.u32 $0x1, s16;
	s20 =	sand.u32 $0x70, s17;
	v1 =	vand.u32 $0xF, v2;
	v5 =	vadd.s32 s18, v0  }
0x59: {  	s17 =	sshll.u32 s19, $0xE;
	v3 =	vor.u32 s20, v1;
	v4 =	vand.u32 $0xF, v5  }
0x5a: {  	v50 =	vmov s17;
	v1 =	vshll.u32 v3, $0x7;
	v6 =	vor.u32 s20, v4  }
0x5b: {  	p0 =	seq.s32 s16, $0x3;
	s18 =	sadd.s32 $0x1, s16;
	v1 =	vor.u32 v50, v1;
	v4 =	vshll.u32 v6, $0x7  }
0x5c: {  	_ =	swait.ge [sflag:s12], $0x4000;
	s19 =	sadd.s32 @!p0 s1, s18;
	v7 =	vadd.s32 v41, v1;
	v4 =	vor.u32 v50, v4  }
0x5d: {  	[sflag:s12] =	ssyncset.done $0x0;
	s20 =	sshll.u32 @!p0 s18, $0xE;
	s19 =	sshll.u32 @!p0 s19, $0xB;
	v3 =	vor.u32 v40, v3;
	v8 =	vadd.s32 v41, v4  }
0x5e: {  	s21 =	simm.s32 @!p0 $0x0;
	v2 =	vand.u32 $0x7, v2;
	s20 =	sand.u32 @!p0 $0x4000, s20;
	s19 =	sand.u32 @!p0 $0x1FFFF800, s19;
	v3 =	vand.u32 $0xF8, v3  }
0x5f: {  	[sflag:s12] =	ssyncadd.s32 $0xFFFFC000;
	s20 =	sor.u32 @!p0 $0x180, s20;
	s19 =	sadd.s32 @!p0 s2, s19;
	v2 =	vor.u32 v2, v3;
	v3 =	vor.u32 v40, v6  }
0x60: {  	v12 =	vld [tilespmem:$0x1FFE0];
	v53 =	vor.u32 s17, v34;
	v5 =	vand.u32 $0x7, v5;
	[tilespmem:s20], [sflag:$0x1] =	stream.linear.gather @!p0 [hbm4b:s19+s21], $0x4000, $0x38;
	v3 =	vand.u32 $0xF8, v3  }
0x61: {  	v9 =	vor.u32 v53, v2;
	v6 =	vor.u32 v5, v3;
	v7 =	vld.idx.msk [tilespmem:v7+s9+$0x0], $0xffff  }
0x62: {  	v10 =	vadd.s32 v42, v1;
	v5 =	vor.u32 v53, v6;
	v3 =	vld.idx.msk [tilespmem:v8+s9+$0x0], $0xffff  }
0x63: {  	s23 =	simm.s32 $0x2  }
0x64: {  	s24 =	sand.u32 $0xE, s23;
	v8 =	vadd.s32 v42, v4  }
0x65: {  	s25 =	sor.u32 $0x1, s24  }
0x66: {  	v11 =	vadd.s32 s25, v0;
	v55 =	vor.u32 s17, v12;
	[tilespmem:v9+s13+$0x0] =	vst.idx.msk $0xffff, v7  }
0x67: {  	v14 =	vadd.s32 v43, v1;
	s19 =	sand.u32 $0x70, s23;
	v7 =	vand.u32 $0xF, v11;
	v9 =	vadd.s32 s24, v0;
	v10 =	vld.idx.msk [tilespmem:v10+s9+$0x0], $0xffff;
	[tilespmem:v5+s13+$0x0] =	vst.idx.msk $0xffff, v3  }
0x68: {  	v12 =	vor.u32 v55, v2;
	v7 =	vor.u32 s19, v7;
	v13 =	vand.u32 $0xF, v9;
	v17 =	vld [tilespmem:$0x1FFF0]  }
0x69: {  	v15 =	vshll.u32 v7, $0x7;
	v3 =	vor.u32 s19, v13;
	v13 =	vor.u32 v55, v6;
	v8 =	vld.idx.msk [tilespmem:v8+s9+$0x0], $0xffff  }
0x6a: {  	v16 =	vadd.s32 v43, v4;
	v7 =	vor.u32 v40, v7;
	v52 =	vor.u32 v50, v15  }
0x6b: {  	v5 =	vshll.u32 v3, $0x7;
	v3 =	vor.u32 v40, v3;
	v15 =	vadd.s32 v41, v52  }
0x6c: {  	v7 =	vand.u32 $0xF8, v7;
	v5 =	vor.u32 v50, v5;
	v3 =	vand.u32 $0xF8, v3  }
0x6d: {  	v24 =	vadd.s32 v41, v5;
	[tilespmem:v12+s13+$0x0] =	vst.idx.msk $0xffff, v10;
	v10 =	vand.u32 $0x7, v11;
	v56 =	vor.u32 s17, v17  }
0x6e: {  	v11 =	vld.idx.msk [tilespmem:v14+s9+$0x0], $0xffff;
	v49 =	vor.u32 v10, v7;
	[tilespmem:v13+s13+$0x0] =	vst.idx.msk $0xffff, v8;
	v12 =	vor.u32 v56, v2  }
0x6f: {  	v10 =	vadd.s32 v44, v1;
	v7 =	vand.u32 $0x7, v9;
	v13 =	vor.u32 v56, v6;
	v14 =	vld.idx.msk [tilespmem:v16+s9+$0x0], $0xffff  }
0x70: {  	v9 =	vor.u32 v53, v49;
	v7 =	vor.u32 v7, v3;
	v3 =	vadd.s32 v44, v4;
	v8 =	vld.idx.msk [tilespmem:v15+s9+$0x0], $0xffff  }
0x71: {  	v15 =	vadd.s32 v42, v52  }
0x72: {  	s26 =	simm.s32 $0x4;
	v16 =	vld.idx.msk [tilespmem:v24+s9+$0x0], $0xffff;
	v24 =	vor.u32 v53, v7  }
0x73: {  	s28 =	sand.u32 $0xE, s26;
	v59 =	vor.u32 s17, v35;
	v57 =	vor.u32 s17, v36;
	v54 =	vor.u32 s17, v37;
	[tilespmem:v12+s13+$0x0] =	vst.idx.msk $0xffff, v11  }
0x74: {  	v51 =	vor.u32 s17, v38;
	v26 =	vadd.s32 s28, v0;
	v12 =	vor.u32 v59, v2;
	[tilespmem:v13+s13+$0x0] =	vst.idx.msk $0xffff, v14;
	v10 =	vld.idx.msk [tilespmem:v10+s9+$0x0], $0xffff  }
0x75: {  	v11 =	vadd.s32 v42, v5;
	[tilespmem:v9+s13+$0x0] =	vst.idx.msk $0xffff, v8;
	v9 =	vor.u32 v59, v6;
	v3 =	vld.idx.msk [tilespmem:v3+s9+$0x0], $0xffff  }
0x76: {  	s29 =	sor.u32 $0x1, s28;
	v28 =	vadd.s32 v44, v52;
	v25 =	vor.u32 v55, v49;
	v8 =	vadd.s32 v45, v1;
	v13 =	vld.idx.msk [tilespmem:v15+s9+$0x0], $0xffff  }
0x77: {  	v27 =	vadd.s32 s29, v0;
	v32 =	vadd.s32 v45, v52;
	[tilespmem:v24+s13+$0x0] =	vst.idx.msk $0xffff, v16;
	v16 =	vadd.s32 v43, v52  }
0x78: {  	v31 =	vadd.s32 v43, v5;
	v60 =	vor.u32 v56, v49;
	v14 =	vadd.s32 v46, v1  }
0x79: {  	v30 =	vand.u32 $0xF, v26;
	s19 =	sand.u32 $0x70, s26;
	v15 =	vadd.s32 v45, v4;
	v24 =	vor.u32 v57, v2;
	[tilespmem:v12+s13+$0x0] =	vst.idx.msk $0xffff, v10  }
0x7a: {  	v30 =	vor.u32 s19, v30;
	v11 =	vld.idx.msk [tilespmem:v11+s9+$0x0], $0xffff;
	v10 =	vand.u32 $0xF, v27;
	v12 =	vor.u32 v55, v7;
	[tilespmem:v9+s13+$0x0] =	vst.idx.msk $0xffff, v3  }
0x7b: {  	v9 =	vand.u32 $0x7, v27;
	v8 =	vld.idx.msk [tilespmem:v8+s9+$0x0], $0xffff;
	v10 =	vor.u32 s19, v10;
	[tilespmem:v25+s13+$0x0] =	vst.idx.msk $0xffff, v13;
	v25 =	vshll.u32 v30, $0x7  }
0x7c: {  	v13 =	vshll.u32 v10, $0x7;
	v10 =	vor.u32 v40, v10;
	v16 =	vld.idx.msk [tilespmem:v16+s9+$0x0], $0xffff;
	v62 =	vor.u32 v50, v25  }
0x7d: {  	s19 =	simm.s32 $0x6;
	v25 =	vadd.s32 v44, v5;
	v61 =	vor.u32 v50, v13;
	v3 =	vand.u32 $0xF8, v10  }
0x7e: {  	v15 =	vld.idx.msk [tilespmem:v15+s9+$0x0], $0xffff;
	s30 =	sand.u32 $0xE, s19;
	v13 =	vand.u32 $0x7, v26;
	v26 =	vadd.s32 v47, v1;
	v1 =	vadd.s32 v48, v1  }
0x7f: {  	v17 =	vadd.s32 s30, v0;
	v10 =	vadd.s32 v41, v61;
	v58 =	vor.u32 v9, v3;
	[tilespmem:v12+s13+$0x0] =	vst.idx.msk $0xffff, v11  }
0x80: {  	v3 =	vadd.s32 v41, v62;
	v9 =	vld.idx.msk [tilespmem:v31+s9+$0x0], $0xffff;
	[tilespmem:v24+s13+$0x0] =	vst.idx.msk $0xffff, v8;
	v8 =	vor.u32 v56, v7  }
0x81: {  	v18 =	vadd.s32 v44, v61;
	v19 =	vand.u32 $0x7, v17;
	[tilespmem:v60+s13+$0x0] =	vst.idx.msk $0xffff, v16;
	v16 =	vor.u32 v57, v6  }
0x82: {  	v11 =	vor.u32 v55, v58;
	v12 =	vor.u32 v40, v30;
	v24 =	vor.u32 v54, v2;
	v14 =	vld.idx.msk [tilespmem:v14+s9+$0x0], $0xffff  }
0x83: {  	v27 =	vor.u32 v53, v58;
	v30 =	vor.u32 v51, v6;
	v12 =	vand.u32 $0xF8, v12  }
0x84: {  	v22 =	vor.u32 v59, v58;
	v63 =	vor.u32 v13, v12;
	v13 =	vadd.s32 v46, v4;
	v10 =	vld.idx.msk [tilespmem:v10+s9+$0x0], $0xffff  }
0x85: {  	v12 =	vadd.s32 v42, v61;
	v3 =	vld.idx.msk [tilespmem:v3+s9+$0x0], $0xffff;
	[tilespmem:v8+s13+$0x0] =	vst.idx.msk $0xffff, v9;
	v8 =	vor.u32 v53, v63  }
0x86: {  	s20 =	sor.u32 $0x1, s30;
	v31 =	vadd.s32 v47, v4;
	[tilespmem:v16+s13+$0x0] =	vst.idx.msk $0xffff, v15;
	v15 =	vld.idx.msk [tilespmem:v25+s9+$0x0], $0xffff;
	v16 =	vor.u32 v59, v7  }
0x87: {  	v20 =	vadd.s32 s20, v0;
	v60 =	vor.u32 s17, v39;
	v9 =	vor.u32 v59, v49;
	[tilespmem:v24+s13+$0x0] =	vst.idx.msk $0xffff, v14;
	v14 =	vld.idx.msk [tilespmem:v28+s9+$0x0], $0xffff  }
0x88: {  	v4 =	vadd.s32 v48, v4;
	v28 =	vadd.s32 v42, v62;
	v25 =	vld.idx.msk [tilespmem:v26+s9+$0x0], $0xffff;
	v26 =	vor.u32 v51, v2  }
0x89: {  	v24 =	vor.u32 v54, v6;
	v13 =	vld.idx.msk [tilespmem:v13+s9+$0x0], $0xffff;
	[tilespmem:v27+s13+$0x0] =	vst.idx.msk $0xffff, v10;
	v10 =	vadd.s32 v45, v5  }
0x8a: {  	v21 =	vor.u32 v55, v63;
	v27 =	vor.u32 v60, v2;
	v2 =	vld.idx.msk [tilespmem:v12+s9+$0x0], $0xffff;
	[tilespmem:v8+s13+$0x0] =	vst.idx.msk $0xffff, v3  }
0x8b: {  	s31 =	sand.u32 $0x70, s19;
	v17 =	vand.u32 $0xF, v17;
	v12 =	vadd.s32 v46, v5;
	v3 =	vadd.s32 v43, v61;
	[tilespmem:v16+s13+$0x0] =	vst.idx.msk $0xffff, v15  }
0x8c: {  	v17 =	vor.u32 s31, v17;
	v8 =	vor.u32 v57, v7;
	v15 =	vor.u32 v56, v58;
	[tilespmem:v9+s13+$0x0] =	vst.idx.msk $0xffff, v14  }
0x8d: {  	v28 =	vld.idx.msk [tilespmem:v28+s9+$0x0], $0xffff;
	v16 =	vand.u32 $0xF, v20;
	v9 =	vshll.u32 v17, $0x7;
	v17 =	vor.u32 v40, v17;
	[tilespmem:v26+s13+$0x0] =	vst.idx.msk $0xffff, v25  }
0x8e: {  	v16 =	vor.u32 s31, v16;
	v25 =	vadd.s32 v43, v62;
	[tilespmem:v24+s13+$0x0] =	vst.idx.msk $0xffff, v13;
	v10 =	vld.idx.msk [tilespmem:v10+s9+$0x0], $0xffff  }
0x8f: {  	v24 =	vadd.s32 v44, v62;
	[tilespmem:v11+s13+$0x0] =	vst.idx.msk $0xffff, v2;
	v11 =	vld.idx.msk [tilespmem:v1+s9+$0x0], $0xffff;
	v1 =	vshll.u32 v16, $0x7  }
0x90: {  	v2 =	vor.u32 v40, v16;
	v16 =	vand.u32 $0x7, v20;
	v14 =	vld.idx.msk [tilespmem:v3+s9+$0x0], $0xffff;
	v3 =	vor.u32 v50, v1  }
0x91: {  	v26 =	vld.idx.msk [tilespmem:v32+s9+$0x0], $0xffff;
	v1 =	vand.u32 $0xF8, v2;
	v2 =	vor.u32 v50, v9;
	v13 =	vadd.s32 v41, v3  }
0x92: {  	v1 =	vor.u32 v16, v1;
	v16 =	vld.idx.msk [tilespmem:v31+s9+$0x0], $0xffff;
	v20 =	vadd.s32 v41, v2;
	[tilespmem:v21+s13+$0x0] =	vst.idx.msk $0xffff, v28  }
0x93: {  	v31 =	vadd.s32 v42, v2;
	v21 =	vld.idx.msk [tilespmem:v25+s9+$0x0], $0xffff;
	[tilespmem:v8+s13+$0x0] =	vst.idx.msk $0xffff, v10;
	v10 =	vor.u32 v56, v63  }
0x94: {  	v9 =	vor.u32 v55, v1;
	v25 =	vor.u32 v54, v7;
	v32 =	vor.u32 v53, v1;
	v12 =	vld.idx.msk [tilespmem:v12+s9+$0x0], $0xffff  }
0x95: {  	v8 =	vadd.s32 v47, v52;
	[tilespmem:v27+s13+$0x0] =	vst.idx.msk $0xffff, v11;
	v27 =	vor.u32 v57, v49  }
0x96: {  	v11 =	vor.u32 v60, v6;
	[tilespmem:v15+s13+$0x0] =	vst.idx.msk $0xffff, v14;
	v14 =	vadd.s32 v47, v5;
	v13 =	vld.idx.msk [tilespmem:v13+s9+$0x0], $0xffff  }
0x97: {  	v18 =	vld.idx.msk [tilespmem:v18+s9+$0x0], $0xffff;
	[tilespmem:v30+s13+$0x0] =	vst.idx.msk $0xffff, v16;
	v16 =	vand.u32 $0xF8, v17;
	v17 =	vadd.s32 v42, v3  }
0x98: {  	v6 =	vor.u32 v51, v49;
	v15 =	vld.idx.msk [tilespmem:v4+s9+$0x0], $0xffff;
	v4 =	vor.u32 v19, v16;
	[tilespmem:v10+s13+$0x0] =	vst.idx.msk $0xffff, v21  }
0x99: {  	v28 =	vld.idx.msk [tilespmem:v20+s9+$0x0], $0xffff;
	v16 =	vadd.s32 v46, v52;
	v30 =	vor.u32 v53, v4;
	[tilespmem:v25+s13+$0x0] =	vst.idx.msk $0xffff, v12  }
0x9a: {  	v10 =	vor.u32 v54, v49;
	v24 =	vld.idx.msk [tilespmem:v24+s9+$0x0], $0xffff;
	v25 =	vor.u32 v59, v63;
	[tilespmem:v27+s13+$0x0] =	vst.idx.msk $0xffff, v26  }
0x9b: {  	v26 =	vadd.s32 v45, v62;
	v12 =	vld.idx.msk [tilespmem:v14+s9+$0x0], $0xffff;
	v14 =	vor.u32 v51, v7;
	[tilespmem:v32+s13+$0x0] =	vst.idx.msk $0xffff, v13  }
0x9c: {  	[tilespmem:v22+s13+$0x0] =	vst.idx.msk $0xffff, v18;
	v13 =	vadd.s32 v48, v5;
	v5 =	vor.u32 v60, v7;
	v27 =	vld.idx.msk [tilespmem:v17+s9+$0x0], $0xffff  }
.LBB2_3:
0x9d: {  	s19 =	sadd.s32 $0x2, s19;
	v7 =	vadd.s32 v46, v62;
	v17 =	vadd.s32 v45, v61;
	[tilespmem:v11+s13+$0x0] =	vst.idx.msk $0xffff, v15;
	v18 =	vmov v3  }
0x9e: {  	v11 =	vor.u32 v57, v63;
	s20 =	sand.u32 $0xE, s19;
	p0 =	slt.u32 s19, $0x7E;
	[tilespmem:v30+s13+$0x0] =	vst.idx.msk $0xffff, v28;
	v3 =	vadd.s32 v43, v18;
	v15 =	vld.idx.msk [tilespmem:v16+s9+$0x0], $0xffff  }
0x9f: {  	v21 =	vmov v62;
	v20 =	vadd.s32 v44, v18;
	v16 =	vadd.s32 s20, v0;
	s20 =	sor.u32 $0x1, s20;
	v19 =	vld.idx.msk [tilespmem:v31+s9+$0x0], $0xffff;
	[tilespmem:v25+s13+$0x0] =	vst.idx.msk $0xffff, v24  }
0xa0: {  	v25 =	vor.u32 v56, v1;
	v22 =	vand.u32 $0x7, v16;
	v24 =	vadd.s32 s20, v0;
	v26 =	vld.idx.msk [tilespmem:v26+s9+$0x0], $0xffff;
	[tilespmem:v14+s13+$0x0] =	vst.idx.msk $0xffff, v12  }
0xa1: {  	v62 =	vmovc v2;
	v28 =	vmovc v49;
	s20 =	sand.u32 $0x70, s19;
	v12 =	vand.u32 $0xF, v16;
	v16 =	vor.u32 v55, v4;
	v14 =	vand.u32 $0xF, v24;
	v13 =	vld.idx.msk [tilespmem:v13+s9+$0x0], $0xffff  }
0xa2: {  	v49 =	vmovc v58;
	v12 =	vor.u32 s20, v12;
	v2 =	vor.u32 s20, v14;
	v14 =	vadd.s32 v43, v62;
	[tilespmem:v9+s13+$0x0] =	vst.idx.msk $0xffff, v27  }
0xa3: {  	v58 =	vmovc v1;
	v31 =	vmovc v6;
	v9 =	vshll.u32 v12, $0x7;
	v27 =	vshll.u32 v2, $0x7;
	v2 =	vor.u32 v40, v2;
	v30 =	vld.idx.msk [tilespmem:v3+s9+$0x0], $0xffff  }
0xa4: {  	v32 =	vmovc v63;
	v6 =	vand.u32 $0x7, v24;
	v3 =	vor.u32 v50, v27;
	v1 =	vand.u32 $0xF8, v2;
	[tilespmem:v10+s13+$0x0] =	vst.idx.msk $0xffff, v15  }
0xa5: {  	v2 =	vor.u32 v50, v9;
	v10 =	vadd.s32 v41, v3;
	v1 =	vor.u32 v6, v1;
	v15 =	vld.idx.msk [tilespmem:v8+s9+$0x0], $0xffff  }
0xa6: {  	v63 =	vmov v4;
	v24 =	vadd.s32 v41, v2;
	v9 =	vor.u32 v55, v1;
	[tilespmem:v16+s13+$0x0] =	vst.idx.msk $0xffff, v19  }
0xa7: {  	v4 =	vor.u32 v40, v12;
	v12 =	vld.idx.msk [tilespmem:v14+s9+$0x0], $0xffff;
	[tilespmem:v11+s13+$0x0] =	vst.idx.msk $0xffff, v26;
	v14 =	vadd.s32 v48, v52  }
0xa8: {  	v16 =	vor.u32 v56, v63;
	v11 =	vor.u32 v60, v28;
	v7 =	vld.idx.msk [tilespmem:v7+s9+$0x0], $0xffff;
	[tilespmem:v5+s13+$0x0] =	vst.idx.msk $0xffff, v13  }
0xa9: {  	v5 =	vadd.s32 v44, v62;
	v13 =	vor.u32 v54, v32;
	[tilespmem:v25+s13+$0x0] =	vst.idx.msk $0xffff, v30;
	v17 =	vld.idx.msk [tilespmem:v17+s9+$0x0], $0xffff  }
0xaa: {  	v27 =	vor.u32 v57, v49;
	v6 =	vor.u32 v51, v49;
	v26 =	vadd.s32 v47, v21;
	v19 =	vld.idx.msk [tilespmem:v10+s9+$0x0], $0xffff  }
0xab: {  	v8 =	vadd.s32 v47, v61;
	v23 =	vor.u32 v53, v1;
	v20 =	vld.idx.msk [tilespmem:v20+s9+$0x0], $0xffff;
	[tilespmem:v31+s13+$0x0] =	vst.idx.msk $0xffff, v15  }
0xac: {  	v33 =	vor.u32 v59, v58;
	v4 =	vand.u32 $0xF8, v4;
	v29 =	vadd.s32 v42, v3;
	v52 =	vmovc v61;
	v15 =	vld.idx.msk [tilespmem:v14+s9+$0x0], $0xffff  }
.Ltmp0:
0xad: {  	v4 =	vor.u32 v22, v4;
	v10 =	vor.u32 v54, v49;
	v28 =	vld.idx.msk [tilespmem:v24+s9+$0x0], $0xffff;
	[tilespmem:v16+s13+$0x0] =	vst.idx.msk $0xffff, v12;
	(pc) =	sbr.rel @p0 .LBB2_3-.Ltmp0, $4  }
0xae: {  	v30 =	vor.u32 v53, v4;
	v16 =	vadd.s32 v46, v52;
	v24 =	vld.idx.msk [tilespmem:v5+s9+$0x0], $0xffff;
	[tilespmem:v13+s13+$0x0] =	vst.idx.msk $0xffff, v7  }
0xaf: {  	v25 =	vor.u32 v59, v63;
	v31 =	vadd.s32 v42, v2;
	v12 =	vld.idx.msk [tilespmem:v26+s9+$0x0], $0xffff;
	[tilespmem:v27+s13+$0x0] =	vst.idx.msk $0xffff, v17  }
0xb0: {  	v61 =	vmov v18;
	v14 =	vor.u32 v51, v32;
	v26 =	vadd.s32 v45, v62;
	[tilespmem:v23+s13+$0x0] =	vst.idx.msk $0xffff, v19  }
0xb1: {  	v13 =	vadd.s32 v48, v21;
	v5 =	vor.u32 v60, v32;
	v27 =	vld.idx.msk [tilespmem:v29+s9+$0x0], $0xffff;
	[tilespmem:v33+s13+$0x0] =	vst.idx.msk $0xffff, v20  }
0xb2: {  	_ =	sdelay $0x3  }
0xb3: {  	[tilespmem:v30+s13+$0x0] =	vst.idx.msk $0xffff, v28  }
0xb4: {  	v17 =	vor.u32 v55, v4;
	v19 =	vadd.s32 v43, v3;
	v7 =	vld.idx.msk [tilespmem:v31+s9+$0x0], $0xffff  }
0xb5: {  	v18 =	vadd.s32 v43, v2;
	_ =	sdelay $0x2  }
0xb6: {  	[tilespmem:v9+s13+$0x0] =	vst.idx.msk $0xffff, v27  }
0xb7: {  	v32 =	vor.u32 v56, v1;
	v33 =	vld.idx.msk [tilespmem:v19+s9+$0x0], $0xffff;
	[tilespmem:v17+s13+$0x0] =	vst.idx.msk $0xffff, v7  }
0xb8: {  	v20 =	vadd.s32 v44, v3;
	v31 =	vor.u32 v56, v4;
	v7 =	vld.idx.msk [tilespmem:v18+s9+$0x0], $0xffff  }
0xb9: {  	v50 =	vadd.s32 v44, v2;
	_ =	sdelay $0x2  }
0xba: {  	[tilespmem:v32+s13+$0x0] =	vst.idx.msk $0xffff, v33  }
0xbb: {  	v53 =	vadd.s32 v45, v61;
	v56 =	vor.u32 v59, v1;
	v18 =	vld.idx.msk [tilespmem:v20+s9+$0x0], $0xffff;
	[tilespmem:v31+s13+$0x0] =	vst.idx.msk $0xffff, v7  }
0xbc: {  	v55 =	vor.u32 v59, v4;
	v21 =	vadd.s32 v45, v3;
	v9 =	vld.idx.msk [tilespmem:v50+s9+$0x0], $0xffff  }
0xbd: {  	v59 =	vadd.s32 v45, v2  }
0xbe: {  	[tilespmem:v25+s13+$0x0] =	vst.idx.msk $0xffff, v24  }
0xbf: {  	v22 =	vor.u32 v57, v63;
	v23 =	vld.idx.msk [tilespmem:v26+s9+$0x0], $0xffff  }
0xc0: {  	v28 =	vadd.s32 v46, v62;
	v29 =	vor.u32 v57, v58;
	v7 =	vld.idx.msk [tilespmem:v53+s9+$0x0], $0xffff;
	[tilespmem:v56+s13+$0x0] =	vst.idx.msk $0xffff, v18  }
0xc1: {  	v30 =	vadd.s32 v46, v61;
	v53 =	vor.u32 v57, v1;
	v50 =	vld.idx.msk [tilespmem:v21+s9+$0x0], $0xffff;
	[tilespmem:v55+s13+$0x0] =	vst.idx.msk $0xffff, v9  }
0xc2: {  	v31 =	vor.u32 v57, v4;
	v55 =	vadd.s32 v46, v3;
	v32 =	vld.idx.msk [tilespmem:v59+s9+$0x0], $0xffff  }
0xc3: {  	v33 =	vadd.s32 v46, v2  }
0xc4: {  	v16 =	vld.idx.msk [tilespmem:v16+s9+$0x0], $0xffff;
	[tilespmem:v22+s13+$0x0] =	vst.idx.msk $0xffff, v23  }
0xc5: {  	v22 =	vld.idx.msk [tilespmem:v28+s9+$0x0], $0xffff;
	v56 =	vor.u32 v54, v63;
	[tilespmem:v29+s13+$0x0] =	vst.idx.msk $0xffff, v7  }
0xc6: {  	v57 =	vadd.s32 v47, v62;
	v9 =	vld.idx.msk [tilespmem:v30+s9+$0x0], $0xffff;
	v59 =	vor.u32 v54, v58;
	[tilespmem:v53+s13+$0x0] =	vst.idx.msk $0xffff, v50  }
0xc7: {  	v27 =	vadd.s32 v47, v61;
	v30 =	vor.u32 v54, v1;
	v20 =	vld.idx.msk [tilespmem:v55+s9+$0x0], $0xffff;
	[tilespmem:v31+s13+$0x0] =	vst.idx.msk $0xffff, v32  }
0xc8: {  	[tilespmem:v11+s13+$0x0] =	vst.idx.msk $0xffff, v15;
	v28 =	vor.u32 v54, v4;
	v31 =	vadd.s32 v47, v3;
	v18 =	vld.idx.msk [tilespmem:v33+s9+$0x0], $0xffff  }
0xc9: {  	[tilespmem:v10+s13+$0x0] =	vst.idx.msk $0xffff, v16;
	v29 =	vadd.s32 v47, v2  }
0xca: {  	v8 =	vld.idx.msk [tilespmem:v8+s9+$0x0], $0xffff;
	[tilespmem:v56+s13+$0x0] =	vst.idx.msk $0xffff, v22  }
0xcb: {  	v7 =	vld.idx.msk [tilespmem:v57+s9+$0x0], $0xffff;
	v32 =	vadd.s32 v48, v52;
	[tilespmem:v59+s13+$0x0] =	vst.idx.msk $0xffff, v9;
	v33 =	vor.u32 v51, v63  }
0xcc: {  	v50 =	vor.u32 v51, v58;
	v52 =	vadd.s32 v48, v62;
	v17 =	vld.idx.msk [tilespmem:v27+s9+$0x0], $0xffff;
	[tilespmem:v30+s13+$0x0] =	vst.idx.msk $0xffff, v20  }
0xcd: {  	v53 =	vadd.s32 v48, v61;
	v55 =	vor.u32 v51, v1;
	v10 =	vld.idx.msk [tilespmem:v31+s9+$0x0], $0xffff;
	[tilespmem:v28+s13+$0x0] =	vst.idx.msk $0xffff, v18  }
0xce: {  	[tilespmem:v14+s13+$0x0] =	vst.idx.msk $0xffff, v12;
	v54 =	vor.u32 v51, v4;
	v3 =	vadd.s32 v48, v3;
	v11 =	vld.idx.msk [tilespmem:v29+s9+$0x0], $0xffff  }
0xcf: {  	v13 =	vld.idx.msk [tilespmem:v13+s9+$0x0], $0xffff;
	[tilespmem:v6+s13+$0x0] =	vst.idx.msk $0xffff, v8;
	v2 =	vadd.s32 v48, v2  }
0xd0: {  	v56 =	vor.u32 v60, v49;
	v8 =	vld.idx.msk [tilespmem:v32+s9+$0x0], $0xffff;
	[tilespmem:v33+s13+$0x0] =	vst.idx.msk $0xffff, v7  }
0xd1: {  	v57 =	vor.u32 v60, v63;
	[tilespmem:v50+s13+$0x0] =	vst.idx.msk $0xffff, v17;
	v59 =	vld.idx.msk [tilespmem:v52+s9+$0x0], $0xffff  }
0xd2: {  	v61 =	vor.u32 v60, v58;
	v62 =	vld.idx.msk [tilespmem:v53+s9+$0x0], $0xffff;
	[tilespmem:v55+s13+$0x0] =	vst.idx.msk $0xffff, v10  }
0xd3: {  	v1 =	vor.u32 v60, v1;
	v3 =	vld.idx.msk [tilespmem:v3+s9+$0x0], $0xffff;
	[tilespmem:v54+s13+$0x0] =	vst.idx.msk $0xffff, v11  }
0xd4: {  	[tilespmem:v5+s13+$0x0] =	vst.idx.msk $0xffff, v13;
	v63 =	vor.u32 v60, v4;
	v2 =	vld.idx.msk [tilespmem:v2+s9+$0x0], $0xffff  }
0xd5: {  	[tilespmem:v56+s13+$0x0] =	vst.idx.msk $0xffff, v8  }
0xd6: {  	[tilespmem:v57+s13+$0x0] =	vst.idx.msk $0xffff, v59  }
0xd7: {  	[tilespmem:v61+s13+$0x0] =	vst.idx.msk $0xffff, v62  }
0xd8: {  	p0 =	slt.u32 s16, $0x2;
	[tilespmem:v1+s13+$0x0] =	vst.idx.msk $0xffff, v3  }
0xd9: {  	s19 =	simm.s32 @!p0 $0x2;
	[tilespmem:v63+s13+$0x0] =	vst.idx.msk $0xffff, v2  }
0xda: {  	_ =	swait.ge @!p0 [sflag:s19], $0x4000  }
0xdb: {  	[sflag:s19] =	ssyncset.done @!p0 $0x0  }
0xdc: {  	[sflag:s19] =	ssyncadd.s32 @!p0 $0xFFFFC000;
	p0 =	sne.s32 s18, $0x4  }
.Ltmp1:
0xdd: {  	s31 =	sshll.u32 s16, $0x6;
	(pc) =	sbr.rel @p0 .LBB2_2-.Ltmp1, $4  }
0xde: {  	s16 =	sand.u32 $0x3FFFFFC0, s31  }
0xdf: {  	s17 =	sor.u32 $0x8180, s17;
	s16 =	sadd.s32 $0x80, s16  }
0xe0: {  	[hbm4b:s4+s14] =	stream.indirect.scatter [tilespmem:s17], [sflag:$0x2], $0x100, s16, s14, $0xb8;
	[tilespmem:$0x10180] =	vst v63  }
0xe1: {  	s16 =	smov.u32 s18  }
0xe2: {  	s15 =	sadd.s32 $0x1, s15  }
0xe3: {  	_ =	swait.ge [sflag:s11], $0x4000;
	p0 =	sne.s32 s15, s8  }
.Ltmp2:
0xe4: {  	[sflag:s11] =	ssyncset.done $0x0;
	(pc) =	sbr.rel @p0 .LBB2_1-.Ltmp2, $4  }
0xe5: {  	[sflag:s11] =	ssyncadd.s32 $0xFFFFC000  }
0xe6: {  	_ =	swait.ge [sflag:s11], $0x4000  }
0xe7: {  	[sflag:s11] =	ssyncset.done $0x0  }
0xe8: {  	[sflag:s11] =	ssyncadd.s32 $0xFFFFC000  }
0xe9: {  	_ =	sfence.sel $0x180000  }
0xea: {  	[bflag:$0x0] =	sbarrier.arrive $0xFFFF  }
0xeb: {  	p0 =	sne.s32 s0, $0x0;
	_ =	strace $0x90000047  }
0xec: {  	s0 =	sadd.s32 @!p0 $0x100000, s3;
	[bflag:$0x2] =	sbarrier.arrive $0xFFFF  }
0xed: {  	[sflag:s0] =	ssyncadd.tile.s32 @!p0 $0x1;
	_ =	shalt  }
.Lfunc_end2:
_tile_overlayer_lowered:
.L_overlay_start_2:
0xee: {  	(tag) =	ssettag $0x2  }
0xef: {  	s0 =	rddreg [dreg:$0x0];
	s2 =	stileid.u32  }
0xf0: {  	s1 =	rddreg [dreg:$0x1];
	p0 =	sne.s32 s2, $0x0  }
0xf1: {  	s3 =	rddreg [dreg:$0x2];
	[bflag:$0x3] =	sbarrier.arrive $0xFFFF;
	s2 =	simm.s32 @!p0 $0x1C03  }
0xf2: {  	[timem:s3], [sflag:s2] =	dma.local @!p0 [hbm:s0], s1  }
0xf3: {  	s0 =	simm.s32 @!p0 $0x3  }
0xf4: {  	_ =	swait.ge @!p0 [sflag:s0], s1  }
0xf5: {  	s1 =	ssub.s32 @!p0 $0x0, s1;
	[sflag:s0] =	ssyncset.done @!p0 $0x0  }
0xf6: {  	[sflag:s0] =	ssyncadd.s32 @!p0 s1  }
0xf7: {  	[bflag:$0x3] =	sbarrier.arrive $0xFFFF  }
0xf8: {  	_ =	shalt  }

</sc_bundles>
